<compile_context>
chip_gen: v7x
topology: tpu7x:2x2x1
jax: 0.10.2.dev20260603
libtpu: 0.0.44.dev20260713+nightly
codegen_flags: <defaults>
</compile_context>

<pallas_src>
import jax
import jax.numpy as jnp
from jax import lax
from jax.experimental import pallas as pl
from jax.experimental.pallas import tpu as pltpu
from jax.experimental.pallas import tpu_sc as plsc

N = 10000
D = 128
E = 320000
NC = 2
NS = 16
NW = NC * NS
B = 128
NCH = 80
EPT = NCH * B
E_PAD = NW * EPT
PAD = E_PAD - E
PADR = 16
NA = 10240
NCHD = 80
HIST = 10240

_MESH = plsc.VectorSubcoreMesh(core_axis_name="c", subcore_axis_name="s")



def _deg_body(dst_hbm, zero_hbm, deg_hbm, didx, ones_v, acc, dsem):
    c = lax.axis_index("c")
    s = lax.axis_index("s")
    w = c * NS + s

    pltpu.sync_copy(dst_hbm.at[w], didx)
    for i in range(B // 16):
        ones_v[pl.ds(i * 16, 16)] = jnp.ones((16,), jnp.float32)

    @pl.when(s == 0)
    def _():
        pltpu.sync_copy(zero_hbm, acc)
    plsc.subcore_barrier()

    def fire(j, carry):
        pltpu.async_copy(ones_v, acc.at[didx.at[j]], dsem, add=True)
        return carry
    lax.fori_loop(0, NCHD, fire, 0)

    def drain(j, carry):
        pltpu.make_async_copy(ones_v, acc.at[didx.at[j]], dsem).wait()
        return carry
    lax.fori_loop(0, NCHD, drain, 0)

    plsc.subcore_barrier()

    @pl.when(s == 0)
    def _():
        pltpu.sync_copy(acc, deg_hbm.at[c])


_deg = pl.kernel(
    _deg_body,
    mesh=_MESH,
    out_type=jax.ShapeDtypeStruct((NC, HIST), jnp.float32),
    scratch_types=[
        pltpu.VMEM((NCHD, B), jnp.int32),
        pltpu.VMEM((B,), jnp.float32),
        pltpu.VMEM_SHARED((HIST,), jnp.float32),
        pltpu.SemaphoreType.DMA,
    ],
)


def _agg_body(t_hbm, src_hbm, dst_hbm, zero_hbm, out_hbm,
              sidx, didx, rows, acc, gsem):
    c = lax.axis_index("c")
    s = lax.axis_index("s")
    w = c * NS + s

    pltpu.sync_copy(src_hbm.at[w], sidx)
    pltpu.sync_copy(dst_hbm.at[w], didx)
    pltpu.sync_copy(zero_hbm.at[pl.ds(s * (NA // NS), NA // NS)],
                    acc.at[pl.ds(s * (NA // NS), NA // NS)])
    plsc.subcore_barrier()

    def outer(i, carry):
        for u in range(2):
            j = i * 2 + u
            pltpu.async_copy(t_hbm.at[sidx.at[j]], rows, gsem).wait()
            pltpu.sync_copy(rows, acc.at[didx.at[j]], add=True)
        return carry

    lax.fori_loop(0, NCH // 2, outer, 0)
    plsc.subcore_barrier()

    @pl.when(s < NS - 1)
    def _():
        pltpu.sync_copy(acc.at[pl.ds(s * 624, 624)],
                        out_hbm.at[c, pl.ds(s * 624, 624)])

    @pl.when(s == NS - 1)
    def _():
        pltpu.sync_copy(acc.at[pl.ds(9360, 640)],
                        out_hbm.at[c, pl.ds(9360, 640)])


_agg = pl.kernel(
    _agg_body,
    mesh=_MESH,
    out_type=jax.ShapeDtypeStruct((NC, N, D), jnp.float32),
    scratch_types=[
        pltpu.VMEM((NCH, B), jnp.int32),
        pltpu.VMEM((NCH, B), jnp.int32),
        pltpu.VMEM((B, D), jnp.float32),
        pltpu.VMEM_SHARED((NA, D), jnp.float32),
        pltpu.SemaphoreType.DMA,
    ],
)



_BM = 2000


def _prep_kernel(degp_ref, x_ref, dinv_ref, t1_ref):
    deg = jnp.sum(degp_ref[...], axis=0) + 1.0
    dinv = lax.rsqrt(deg)
    dinv_ref[...] = dinv
    t1_ref[...] = x_ref[...] * dinv


def _mid_kernel(p0_ref, p1_ref, t1_ref, dinv_ref, w1_ref, b1_ref,
                w2_ref, t2_ref):
    dinv = dinv_ref[...]
    s1 = dinv * (p0_ref[...] + p1_ref[...] + t1_ref[...])
    h = jnp.dot(s1, w1_ref[...], preferred_element_type=jnp.float32)
    h = jnp.maximum(h + b1_ref[...], 0.0)
    t2_ref[...] = jnp.dot(h, w2_ref[...],
                          preferred_element_type=jnp.float32) * dinv


def _fin_kernel(q0_ref, q1_ref, t2_ref, dinv_ref, b2_ref, out_ref):
    out_ref[...] = (dinv_ref[...] * (q0_ref[...] + q1_ref[...] + t2_ref[...])
                    + b2_ref[...])


_BS_D = pl.BlockSpec((_BM, D), lambda i: (i, 0))
_BS_V = pl.BlockSpec((_BM, 1), lambda i: (i, 0))


def _prep(degp, x):
    return pl.pallas_call(
        _prep_kernel,
        grid=(N // _BM,),
        in_specs=[
            pl.BlockSpec((NC, _BM, 1), lambda i: (0, i, 0)),
            _BS_D,
        ],
        out_specs=[_BS_V, _BS_D],
        out_shape=[
            jax.ShapeDtypeStruct((N, 1), jnp.float32),
            jax.ShapeDtypeStruct((N, D), jnp.float32),
        ],
    )(degp, x)


def _mid(p0, p1, t1, dinv, W1, b1, W2):
    return pl.pallas_call(
        _mid_kernel,
        grid=(N // _BM,),
        in_specs=[
            _BS_D, _BS_D, _BS_D, _BS_V,
            pl.BlockSpec((D, 2 * D), lambda i: (0, 0)),
            pl.BlockSpec((1, 2 * D), lambda i: (0, 0)),
            pl.BlockSpec((2 * D, D), lambda i: (0, 0)),
        ],
        out_specs=_BS_D,
        out_shape=jax.ShapeDtypeStruct((N, D), jnp.float32),
    )(p0, p1, t1, dinv, W1, b1, W2)


def _fin(q0, q1, t2, dinv, b2):
    return pl.pallas_call(
        _fin_kernel,
        grid=(N // _BM,),
        in_specs=[
            _BS_D, _BS_D, _BS_D, _BS_V,
            pl.BlockSpec((1, D), lambda i: (0, 0)),
        ],
        out_specs=_BS_D,
        out_shape=jax.ShapeDtypeStruct((N, D), jnp.float32),
    )(q0, q1, t2, dinv, b2)



def kernel(x, edge_index, W1, b1, W2, b2):
    ei = edge_index.astype(jnp.int32)
    pad_src = (jnp.arange(PAD, dtype=jnp.int32) % PADR)
    pad_dst = N + (jnp.arange(PAD, dtype=jnp.int32) % PADR)
    src = jnp.concatenate([ei[0], pad_src])
    dst = jnp.concatenate([ei[1], pad_dst])
    srcA = src.reshape(NW, NCH, B)
    dstA = dst.reshape(NW, NCH, B)
    zeros_deg = jnp.zeros((HIST,), jnp.float32)
    zeros_acc = jnp.zeros((NA, D), jnp.float32)

    degp = _deg(dstA, zeros_deg)
    degp = degp[:, :N].reshape(NC, N, 1)
    dinv, t1 = _prep(degp, x)
    p = _agg(t1, srcA, dstA, zeros_acc)
    t2 = _mid(p[0], p[1], t1, dinv,
              W1, b1.reshape(1, -1), W2)
    q = _agg(t2, srcA, dstA, zeros_acc)
    return _fin(q[0], q[1], t2, dinv, b2.reshape(1, -1))

# --- scband reference (transcript-rebuilt; emitter-appended) ---
"""Pipeline reference for scband-gcn-90134183674277 (READ-ONLY COPY).

The authoritative reference and input builder live on the scoring server;
editing this copy changes nothing except your own understanding.
"""

import jax, jax.numpy as jnp
import numpy as np

N_NODES = 10000

def gcn_conv(x, edge_index, W, b):
    n = x.shape[0]
    src = edge_index[0]
    dst = edge_index[1]
    loop = jnp.arange(n, dtype=src.dtype)
    src = jnp.concatenate([src, loop])
    dst = jnp.concatenate([dst, loop])
    deg = jnp.zeros((n,), dtype=x.dtype).at[dst].add(1.0)
    dinv = jnp.where(deg > 0, 1.0 / jnp.sqrt(deg), 0.0)
    norm = dinv[src] * dinv[dst]
    xw = x @ W
    msg = xw[src] * norm[:, None]
    out = jnp.zeros((n, W.shape[1]), dtype=x.dtype).at[dst].add(msg)
    return out + b

def setup_inputs(seed: int = 0) -> dict:
    key = jax.random.key(seed)
    k1, k2, k3, k4, k5, k6 = jax.random.split(key, 6)
    x = jax.random.normal(k1, (N_NODES, 128), dtype=jnp.float32)
    edge_index = jax.random.randint(k2, (2, 320000), 0, N_NODES, dtype=jnp.int64)
    W1 = jax.random.normal(k3, (128, 256), dtype=jnp.float32) * (1.0 / np.sqrt(128))
    b1 = jnp.zeros((256,), dtype=jnp.float32)
    W2 = jax.random.normal(k4, (256, 128), dtype=jnp.float32) * (1.0 / np.sqrt(256))
    b2 = jnp.zeros((128,), dtype=jnp.float32)
    return {"x": x, "edge_index": edge_index, "W1": W1, "b1": b1, "W2": W2, "b2": b2}

def reference(x, edge_index, W1, b1, W2, b2):
    h = gcn_conv(x, edge_index, W1, b1)
    h = jax.nn.relu(h)
    out = gcn_conv(h, edge_index, W2, b2)
    return out

if __name__ == "__main__":
    import jax
    _d = setup_inputs()
    print(jax.jit(kernel)(*tuple(_d.values())))

</pallas_src>

<mosaic_0001>
#map = affine_map<(d0, d1) -> (0, 0)>
#map1 = affine_map<(d0, d1) -> (0, 0, 0)>
module attributes {stable_mosaic.version = 14 : i64} {
  func.func @_agg_body(%arg0: i32, %arg1: i32, %arg2: memref<10000x128xf32, #tpu.memory_space<hbm>>, %arg3: memref<32x80x128xi32, #tpu.memory_space<hbm>>, %arg4: memref<32x80x128xi32, #tpu.memory_space<hbm>>, %arg5: memref<10240x128xf32, #tpu.memory_space<hbm>>, %arg6: memref<2x10000x128xf32, #tpu.memory_space<hbm>>, %arg7: memref<80x128xi32, #tpu.memory_space<vmem>>, %arg8: memref<80x128xi32, #tpu.memory_space<vmem>>, %arg9: memref<128x128xf32, #tpu.memory_space<vmem>>, %arg10: memref<10240x128xf32, #tpu.memory_space<vmem_shared>>, %arg11: memref<!tpu.dma_semaphore, #tpu.memory_space<semaphore_mem>>) attributes {dimension_semantics = [#tpu.dimension_semantics<core_parallel>, #tpu.dimension_semantics<subcore_parallel>], iteration_bounds = array<i64: 2, 16>, scalar_prefetch = 0 : i64, scratch_operands = 5 : i64, tpu.core_type = #tpu.core_type<sc_vector_subcore>, window_params = [{transform_indices = #map}, {transform_indices = #map1}, {transform_indices = #map1}, {transform_indices = #map}, {transform_indices = #map1}]} {
    %mul3A = arith.constant 16 : i32
    %mul3A_0 = arith.muli %arg0, %mul3A : i32
    %add3A = arith.addi %mul3A_0, %arg1 : i32
    "tpu.region"() ({
      %run_scoped3A = tpu.sem_alloc : memref<!tpu.dma_semaphore, #tpu.memory_space<semaphore_mem>>
      %dma_start3A = arith.constant 0 : i32
      %dma_start3A_17 = arith.constant 0 : i32
      %dma_start3A_18 = tpu.memref_slice %arg3[%add3A, %dma_start3A, %dma_start3A_17] : memref<32x80x128xi32, #tpu.memory_space<hbm>> -> memref<1x80x128xi32, #tpu.memory_space<hbm>>
      %dma_start3A_19 = tpu.memref_squeeze %dma_start3A_18 : memref<1x80x128xi32, #tpu.memory_space<hbm>> -> memref<80x128xi32, #tpu.memory_space<hbm>>
      %dma_start3A_20 = arith.constant 0 : i32
      %dma_start3A_21 = arith.constant 0 : i32
      %dma_start3A_22 = tpu.memref_slice %arg3[%add3A, %dma_start3A_20, %dma_start3A_21] : memref<32x80x128xi32, #tpu.memory_space<hbm>> -> memref<1x80x128xi32, #tpu.memory_space<hbm>>
      %dma_start3A_23 = tpu.memref_squeeze %dma_start3A_22 : memref<1x80x128xi32, #tpu.memory_space<hbm>> -> memref<80x128xi32, #tpu.memory_space<hbm>>
      tpu.enqueue_dma source(%dma_start3A_23 : memref<80x128xi32, #tpu.memory_space<hbm>>) target(%arg7 : memref<80x128xi32, #tpu.memory_space<vmem>>) target_semaphore(%run_scoped3A : memref<!tpu.dma_semaphore, #tpu.memory_space<semaphore_mem>>)
      %dma_wait3A = arith.constant 0 : i32
      %dma_wait3A_24 = arith.constant 0 : i32
      %dma_wait3A_25 = tpu.memref_slice %arg3[%add3A, %dma_wait3A, %dma_wait3A_24] : memref<32x80x128xi32, #tpu.memory_space<hbm>> -> memref<1x80x128xi32, #tpu.memory_space<hbm>>
      %dma_wait3A_26 = tpu.memref_squeeze %dma_wait3A_25 : memref<1x80x128xi32, #tpu.memory_space<hbm>> -> memref<80x128xi32, #tpu.memory_space<hbm>>
      %dma_wait3A_27 = arith.constant 0 : i32
      %dma_wait3A_28 = arith.constant 0 : i32
      %dma_wait3A_29 = tpu.memref_slice %arg3[%add3A, %dma_wait3A_27, %dma_wait3A_28] : memref<32x80x128xi32, #tpu.memory_space<hbm>> -> memref<1x80x128xi32, #tpu.memory_space<hbm>>
      %dma_wait3A_30 = tpu.memref_squeeze %dma_wait3A_29 : memref<1x80x128xi32, #tpu.memory_space<hbm>> -> memref<80x128xi32, #tpu.memory_space<hbm>>
      tpu.wait_dma2 semaphore(%run_scoped3A : memref<!tpu.dma_semaphore, #tpu.memory_space<semaphore_mem>>) src(%dma_wait3A_30 : memref<80x128xi32, #tpu.memory_space<hbm>>) dst(%arg7 : memref<80x128xi32, #tpu.memory_space<vmem>>)
      tpu.yield
    }) : () -> ()
    "tpu.region"() ({
      %run_scoped3A = tpu.sem_alloc : memref<!tpu.dma_semaphore, #tpu.memory_space<semaphore_mem>>
      %dma_start3A = arith.constant 0 : i32
      %dma_start3A_17 = arith.constant 0 : i32
      %dma_start3A_18 = tpu.memref_slice %arg4[%add3A, %dma_start3A, %dma_start3A_17] : memref<32x80x128xi32, #tpu.memory_space<hbm>> -> memref<1x80x128xi32, #tpu.memory_space<hbm>>
      %dma_start3A_19 = tpu.memref_squeeze %dma_start3A_18 : memref<1x80x128xi32, #tpu.memory_space<hbm>> -> memref<80x128xi32, #tpu.memory_space<hbm>>
      %dma_start3A_20 = arith.constant 0 : i32
      %dma_start3A_21 = arith.constant 0 : i32
      %dma_start3A_22 = tpu.memref_slice %arg4[%add3A, %dma_start3A_20, %dma_start3A_21] : memref<32x80x128xi32, #tpu.memory_space<hbm>> -> memref<1x80x128xi32, #tpu.memory_space<hbm>>
      %dma_start3A_23 = tpu.memref_squeeze %dma_start3A_22 : memref<1x80x128xi32, #tpu.memory_space<hbm>> -> memref<80x128xi32, #tpu.memory_space<hbm>>
      tpu.enqueue_dma source(%dma_start3A_23 : memref<80x128xi32, #tpu.memory_space<hbm>>) target(%arg8 : memref<80x128xi32, #tpu.memory_space<vmem>>) target_semaphore(%run_scoped3A : memref<!tpu.dma_semaphore, #tpu.memory_space<semaphore_mem>>)
      %dma_wait3A = arith.constant 0 : i32
      %dma_wait3A_24 = arith.constant 0 : i32
      %dma_wait3A_25 = tpu.memref_slice %arg4[%add3A, %dma_wait3A, %dma_wait3A_24] : memref<32x80x128xi32, #tpu.memory_space<hbm>> -> memref<1x80x128xi32, #tpu.memory_space<hbm>>
      %dma_wait3A_26 = tpu.memref_squeeze %dma_wait3A_25 : memref<1x80x128xi32, #tpu.memory_space<hbm>> -> memref<80x128xi32, #tpu.memory_space<hbm>>
      %dma_wait3A_27 = arith.constant 0 : i32
      %dma_wait3A_28 = arith.constant 0 : i32
      %dma_wait3A_29 = tpu.memref_slice %arg4[%add3A, %dma_wait3A_27, %dma_wait3A_28] : memref<32x80x128xi32, #tpu.memory_space<hbm>> -> memref<1x80x128xi32, #tpu.memory_space<hbm>>
      %dma_wait3A_30 = tpu.memref_squeeze %dma_wait3A_29 : memref<1x80x128xi32, #tpu.memory_space<hbm>> -> memref<80x128xi32, #tpu.memory_space<hbm>>
      tpu.wait_dma2 semaphore(%run_scoped3A : memref<!tpu.dma_semaphore, #tpu.memory_space<semaphore_mem>>) src(%dma_wait3A_30 : memref<80x128xi32, #tpu.memory_space<hbm>>) dst(%arg8 : memref<80x128xi32, #tpu.memory_space<vmem>>)
      tpu.yield
    }) : () -> ()
    %mul3A_1 = arith.constant 640 : i32
    %mul3A_2 = arith.muli %arg1, %mul3A_1 : i32
    %mul3A_3 = arith.constant 640 : i32
    %mul3A_4 = arith.muli %arg1, %mul3A_3 : i32
    "tpu.region"() ({
      %run_scoped3A = tpu.sem_alloc : memref<!tpu.dma_semaphore, #tpu.memory_space<semaphore_mem>>
      %dma_start3A = arith.constant 0 : i32
      %dma_start3A_17 = tpu.memref_slice %arg10[%mul3A_4, %dma_start3A] : memref<10240x128xf32, #tpu.memory_space<vmem_shared>> -> memref<640x128xf32, #tpu.memory_space<vmem_shared>>
      %dma_start3A_18 = arith.constant 0 : i32
      %dma_start3A_19 = tpu.memref_slice %arg5[%mul3A_2, %dma_start3A_18] : memref<10240x128xf32, #tpu.memory_space<hbm>> -> memref<640x128xf32, #tpu.memory_space<hbm>>
      tpu.enqueue_dma source(%dma_start3A_19 : memref<640x128xf32, #tpu.memory_space<hbm>>) target(%dma_start3A_17 : memref<640x128xf32, #tpu.memory_space<vmem_shared>>) target_semaphore(%run_scoped3A : memref<!tpu.dma_semaphore, #tpu.memory_space<semaphore_mem>>)
      %dma_wait3A = arith.constant 0 : i32
      %dma_wait3A_20 = tpu.memref_slice %arg10[%mul3A_4, %dma_wait3A] : memref<10240x128xf32, #tpu.memory_space<vmem_shared>> -> memref<640x128xf32, #tpu.memory_space<vmem_shared>>
      %dma_wait3A_21 = arith.constant 0 : i32
      %dma_wait3A_22 = tpu.memref_slice %arg5[%mul3A_2, %dma_wait3A_21] : memref<10240x128xf32, #tpu.memory_space<hbm>> -> memref<640x128xf32, #tpu.memory_space<hbm>>
      tpu.wait_dma2 semaphore(%run_scoped3A : memref<!tpu.dma_semaphore, #tpu.memory_space<semaphore_mem>>) src(%dma_wait3A_22 : memref<640x128xf32, #tpu.memory_space<hbm>>) dst(%dma_wait3A_20 : memref<640x128xf32, #tpu.memory_space<vmem_shared>>)
      tpu.yield
    }) : () -> ()
    %barrier3A = arith.constant 0 : index
    tpu.barrier barrier_id(%barrier3A)
    %scan3A = arith.constant 0 : i32
    %scan3A_5 = arith.constant 0 : i32
    %scan3A_6 = arith.constant 40 : i32
    %scan3A_7 = arith.addi %scan3A_5, %scan3A_6 : i32
    %scan3A_8 = arith.constant 1 : i32
    scf.for %scan3A_17 = %scan3A_5 to %scan3A_7 step %scan3A_8  : i32 {
      %mul3A_18 = arith.constant 2 : i32
      %mul3A_19 = arith.muli %scan3A_17, %mul3A_18 : i32
      %add3A_20 = arith.constant 0 : i32
      %add3A_21 = arith.addi %mul3A_19, %add3A_20 : i32
      %dma_start3A = arith.constant 0 : i32
      %dma_start3A_22 = tpu.memref_slice %arg7[%add3A_21, %dma_start3A] : memref<80x128xi32, #tpu.memory_space<vmem>> -> memref<1x128xi32, #tpu.memory_space<vmem>>
      %dma_start3A_23 = tpu.memref_squeeze %dma_start3A_22 : memref<1x128xi32, #tpu.memory_space<vmem>> -> memref<128xi32, #tpu.memory_space<vmem>>
      %dma_start3A_24 = arith.constant 0 : i32
      %dma_start3A_25 = arith.constant 0 : i32
      %dma_start3A_26 = tpu.memref_slice %arg2[%dma_start3A_24, %dma_start3A_25] : memref<10000x128xf32, #tpu.memory_space<hbm>> -> memref<10000x128xf32, #tpu.memory_space<hbm>>
      tpu.enqueue_indirect_dma source(%dma_start3A_26 : memref<10000x128xf32, #tpu.memory_space<hbm>>) target(%arg9 : memref<128x128xf32, #tpu.memory_space<vmem>>) offsets(%dma_start3A_23 : memref<128xi32, #tpu.memory_space<vmem>>) semaphore(%arg11 : memref<!tpu.dma_semaphore, #tpu.memory_space<semaphore_mem>>)
      %dma_wait3A = arith.constant 0 : i32
      %dma_wait3A_27 = tpu.memref_slice %arg7[%add3A_21, %dma_wait3A] : memref<80x128xi32, #tpu.memory_space<vmem>> -> memref<1x128xi32, #tpu.memory_space<vmem>>
      %dma_wait3A_28 = tpu.memref_squeeze %dma_wait3A_27 : memref<1x128xi32, #tpu.memory_space<vmem>> -> memref<128xi32, #tpu.memory_space<vmem>>
      %dma_wait3A_29 = arith.constant 0 : i32
      %dma_wait3A_30 = arith.constant 0 : i32
      %dma_wait3A_31 = tpu.memref_slice %arg2[%dma_wait3A_29, %dma_wait3A_30] : memref<10000x128xf32, #tpu.memory_space<hbm>> -> memref<10000x128xf32, #tpu.memory_space<hbm>>
      tpu.wait_indirect_dma semaphore(%arg11 : memref<!tpu.dma_semaphore, #tpu.memory_space<semaphore_mem>>) src(%dma_wait3A_31 : memref<10000x128xf32, #tpu.memory_space<hbm>>) dst(%arg9 : memref<128x128xf32, #tpu.memory_space<vmem>>)
      "tpu.region"() ({
        %run_scoped3A = tpu.sem_alloc : memref<!tpu.dma_semaphore, #tpu.memory_space<semaphore_mem>>
        %dma_start3A_48 = arith.constant 0 : i32
        %dma_start3A_49 = tpu.memref_slice %arg8[%add3A_21, %dma_start3A_48] : memref<80x128xi32, #tpu.memory_space<vmem>> -> memref<1x128xi32, #tpu.memory_space<vmem>>
        %dma_start3A_50 = tpu.memref_squeeze %dma_start3A_49 : memref<1x128xi32, #tpu.memory_space<vmem>> -> memref<128xi32, #tpu.memory_space<vmem>>
        %dma_start3A_51 = arith.constant 0 : i32
        %dma_start3A_52 = arith.constant 0 : i32
        %dma_start3A_53 = tpu.memref_slice %arg10[%dma_start3A_51, %dma_start3A_52] : memref<10240x128xf32, #tpu.memory_space<vmem_shared>> -> memref<10240x128xf32, #tpu.memory_space<vmem_shared>>
        tpu.enqueue_indirect_dma source(%arg9 : memref<128x128xf32, #tpu.memory_space<vmem>>) target(%dma_start3A_53 : memref<10240x128xf32, #tpu.memory_space<vmem_shared>>) offsets(%dma_start3A_50 : memref<128xi32, #tpu.memory_space<vmem>>) semaphore(%run_scoped3A : memref<!tpu.dma_semaphore, #tpu.memory_space<semaphore_mem>>) {add = true}
        %dma_wait3A_54 = arith.constant 0 : i32
        %dma_wait3A_55 = tpu.memref_slice %arg8[%add3A_21, %dma_wait3A_54] : memref<80x128xi32, #tpu.memory_space<vmem>> -> memref<1x128xi32, #tpu.memory_space<vmem>>
        %dma_wait3A_56 = tpu.memref_squeeze %dma_wait3A_55 : memref<1x128xi32, #tpu.memory_space<vmem>> -> memref<128xi32, #tpu.memory_space<vmem>>
        %dma_wait3A_57 = arith.constant 0 : i32
        %dma_wait3A_58 = arith.constant 0 : i32
        %dma_wait3A_59 = tpu.memref_slice %arg10[%dma_wait3A_57, %dma_wait3A_58] : memref<10240x128xf32, #tpu.memory_space<vmem_shared>> -> memref<10240x128xf32, #tpu.memory_space<vmem_shared>>
        tpu.wait_indirect_dma semaphore(%run_scoped3A : memref<!tpu.dma_semaphore, #tpu.memory_space<semaphore_mem>>) src(%arg9 : memref<128x128xf32, #tpu.memory_space<vmem>>) dst(%dma_wait3A_59 : memref<10240x128xf32, #tpu.memory_space<vmem_shared>>)
        tpu.yield
      }) : () -> ()
      %mul3A_32 = arith.constant 2 : i32
      %mul3A_33 = arith.muli %scan3A_17, %mul3A_32 : i32
      %add3A_34 = arith.constant 1 : i32
      %add3A_35 = arith.addi %mul3A_33, %add3A_34 : i32
      %dma_start3A_36 = arith.constant 0 : i32
      %dma_start3A_37 = tpu.memref_slice %arg7[%add3A_35, %dma_start3A_36] : memref<80x128xi32, #tpu.memory_space<vmem>> -> memref<1x128xi32, #tpu.memory_space<vmem>>
      %dma_start3A_38 = tpu.memref_squeeze %dma_start3A_37 : memref<1x128xi32, #tpu.memory_space<vmem>> -> memref<128xi32, #tpu.memory_space<vmem>>
      %dma_start3A_39 = arith.constant 0 : i32
      %dma_start3A_40 = arith.constant 0 : i32
      %dma_start3A_41 = tpu.memref_slice %arg2[%dma_start3A_39, %dma_start3A_40] : memref<10000x128xf32, #tpu.memory_space<hbm>> -> memref<10000x128xf32, #tpu.memory_space<hbm>>
      tpu.enqueue_indirect_dma source(%dma_start3A_41 : memref<10000x128xf32, #tpu.memory_space<hbm>>) target(%arg9 : memref<128x128xf32, #tpu.memory_space<vmem>>) offsets(%dma_start3A_38 : memref<128xi32, #tpu.memory_space<vmem>>) semaphore(%arg11 : memref<!tpu.dma_semaphore, #tpu.memory_space<semaphore_mem>>)
      %dma_wait3A_42 = arith.constant 0 : i32
      %dma_wait3A_43 = tpu.memref_slice %arg7[%add3A_35, %dma_wait3A_42] : memref<80x128xi32, #tpu.memory_space<vmem>> -> memref<1x128xi32, #tpu.memory_space<vmem>>
      %dma_wait3A_44 = tpu.memref_squeeze %dma_wait3A_43 : memref<1x128xi32, #tpu.memory_space<vmem>> -> memref<128xi32, #tpu.memory_space<vmem>>
      %dma_wait3A_45 = arith.constant 0 : i32
      %dma_wait3A_46 = arith.constant 0 : i32
      %dma_wait3A_47 = tpu.memref_slice %arg2[%dma_wait3A_45, %dma_wait3A_46] : memref<10000x128xf32, #tpu.memory_space<hbm>> -> memref<10000x128xf32, #tpu.memory_space<hbm>>
      tpu.wait_indirect_dma semaphore(%arg11 : memref<!tpu.dma_semaphore, #tpu.memory_space<semaphore_mem>>) src(%dma_wait3A_47 : memref<10000x128xf32, #tpu.memory_space<hbm>>) dst(%arg9 : memref<128x128xf32, #tpu.memory_space<vmem>>)
      "tpu.region"() ({
        %run_scoped3A = tpu.sem_alloc : memref<!tpu.dma_semaphore, #tpu.memory_space<semaphore_mem>>
        %dma_start3A_48 = arith.constant 0 : i32
        %dma_start3A_49 = tpu.memref_slice %arg8[%add3A_35, %dma_start3A_48] : memref<80x128xi32, #tpu.memory_space<vmem>> -> memref<1x128xi32, #tpu.memory_space<vmem>>
        %dma_start3A_50 = tpu.memref_squeeze %dma_start3A_49 : memref<1x128xi32, #tpu.memory_space<vmem>> -> memref<128xi32, #tpu.memory_space<vmem>>
        %dma_start3A_51 = arith.constant 0 : i32
        %dma_start3A_52 = arith.constant 0 : i32
        %dma_start3A_53 = tpu.memref_slice %arg10[%dma_start3A_51, %dma_start3A_52] : memref<10240x128xf32, #tpu.memory_space<vmem_shared>> -> memref<10240x128xf32, #tpu.memory_space<vmem_shared>>
        tpu.enqueue_indirect_dma source(%arg9 : memref<128x128xf32, #tpu.memory_space<vmem>>) target(%dma_start3A_53 : memref<10240x128xf32, #tpu.memory_space<vmem_shared>>) offsets(%dma_start3A_50 : memref<128xi32, #tpu.memory_space<vmem>>) semaphore(%run_scoped3A : memref<!tpu.dma_semaphore, #tpu.memory_space<semaphore_mem>>) {add = true}
        %dma_wait3A_54 = arith.constant 0 : i32
        %dma_wait3A_55 = tpu.memref_slice %arg8[%add3A_35, %dma_wait3A_54] : memref<80x128xi32, #tpu.memory_space<vmem>> -> memref<1x128xi32, #tpu.memory_space<vmem>>
        %dma_wait3A_56 = tpu.memref_squeeze %dma_wait3A_55 : memref<1x128xi32, #tpu.memory_space<vmem>> -> memref<128xi32, #tpu.memory_space<vmem>>
        %dma_wait3A_57 = arith.constant 0 : i32
        %dma_wait3A_58 = arith.constant 0 : i32
        %dma_wait3A_59 = tpu.memref_slice %arg10[%dma_wait3A_57, %dma_wait3A_58] : memref<10240x128xf32, #tpu.memory_space<vmem_shared>> -> memref<10240x128xf32, #tpu.memory_space<vmem_shared>>
        tpu.wait_indirect_dma semaphore(%run_scoped3A : memref<!tpu.dma_semaphore, #tpu.memory_space<semaphore_mem>>) src(%arg9 : memref<128x128xf32, #tpu.memory_space<vmem>>) dst(%dma_wait3A_59 : memref<10240x128xf32, #tpu.memory_space<vmem_shared>>)
        tpu.yield
      }) : () -> ()
    }
    %scan3A_9 = arith.constant 40 : i32
    %barrier3A_10 = arith.constant 0 : index
    tpu.barrier barrier_id(%barrier3A_10)
    %lt3A = arith.constant 15 : i32
    %lt3A_11 = arith.cmpi slt, %arg1, %lt3A : i32
    %convert_element_type3A = arith.extui %lt3A_11 : i1 to i32
    %cond3A = arith.constant 0 : i32
    %cond3A_12 = arith.cmpi ne, %convert_element_type3A, %cond3A : i32
    scf.if %cond3A_12 {
      %mul3A_17 = arith.constant 624 : i32
      %mul3A_18 = arith.muli %arg1, %mul3A_17 : i32
      %mul3A_19 = arith.constant 624 : i32
      %mul3A_20 = arith.muli %arg1, %mul3A_19 : i32
      "tpu.region"() ({
        %run_scoped3A = tpu.sem_alloc : memref<!tpu.dma_semaphore, #tpu.memory_space<semaphore_mem>>
        %dma_start3A = arith.constant 0 : i32
        %dma_start3A_21 = tpu.memref_slice %arg6[%arg0, %mul3A_20, %dma_start3A] : memref<2x10000x128xf32, #tpu.memory_space<hbm>> -> memref<1x624x128xf32, #tpu.memory_space<hbm>>
        %dma_start3A_22 = tpu.memref_squeeze %dma_start3A_21 : memref<1x624x128xf32, #tpu.memory_space<hbm>> -> memref<624x128xf32, #tpu.memory_space<hbm>>
        %dma_start3A_23 = arith.constant 0 : i32
        %dma_start3A_24 = tpu.memref_slice %arg10[%mul3A_18, %dma_start3A_23] : memref<10240x128xf32, #tpu.memory_space<vmem_shared>> -> memref<624x128xf32, #tpu.memory_space<vmem_shared>>
        tpu.enqueue_dma source(%dma_start3A_24 : memref<624x128xf32, #tpu.memory_space<vmem_shared>>) target(%dma_start3A_22 : memref<624x128xf32, #tpu.memory_space<hbm>>) target_semaphore(%run_scoped3A : memref<!tpu.dma_semaphore, #tpu.memory_space<semaphore_mem>>)
        %dma_wait3A = arith.constant 0 : i32
        %dma_wait3A_25 = tpu.memref_slice %arg6[%arg0, %mul3A_20, %dma_wait3A] : memref<2x10000x128xf32, #tpu.memory_space<hbm>> -> memref<1x624x128xf32, #tpu.memory_space<hbm>>
        %dma_wait3A_26 = tpu.memref_squeeze %dma_wait3A_25 : memref<1x624x128xf32, #tpu.memory_space<hbm>> -> memref<624x128xf32, #tpu.memory_space<hbm>>
        %dma_wait3A_27 = arith.constant 0 : i32
        %dma_wait3A_28 = tpu.memref_slice %arg10[%mul3A_18, %dma_wait3A_27] : memref<10240x128xf32, #tpu.memory_space<vmem_shared>> -> memref<624x128xf32, #tpu.memory_space<vmem_shared>>
        tpu.wait_dma2 semaphore(%run_scoped3A : memref<!tpu.dma_semaphore, #tpu.memory_space<semaphore_mem>>) src(%dma_wait3A_28 : memref<624x128xf32, #tpu.memory_space<vmem_shared>>) dst(%dma_wait3A_26 : memref<624x128xf32, #tpu.memory_space<hbm>>)
        tpu.yield
      }) : () -> ()
    } else {
    }
    %eq3A = arith.constant 15 : i32
    %eq3A_13 = arith.cmpi eq, %arg1, %eq3A : i32
    %convert_element_type3A_14 = arith.extui %eq3A_13 : i1 to i32
    %cond3A_15 = arith.constant 0 : i32
    %cond3A_16 = arith.cmpi ne, %convert_element_type3A_14, %cond3A_15 : i32
    scf.if %cond3A_16 {
      "tpu.region"() ({
        %run_scoped3A = tpu.sem_alloc : memref<!tpu.dma_semaphore, #tpu.memory_space<semaphore_mem>>
        %dma_start3A = arith.constant 9360 : i32
        %dma_start3A_17 = arith.constant 0 : i32
        %dma_start3A_18 = tpu.memref_slice %arg6[%arg0, %dma_start3A, %dma_start3A_17] : memref<2x10000x128xf32, #tpu.memory_space<hbm>> -> memref<1x640x128xf32, #tpu.memory_space<hbm>>
        %dma_start3A_19 = tpu.memref_squeeze %dma_start3A_18 : memref<1x640x128xf32, #tpu.memory_space<hbm>> -> memref<640x128xf32, #tpu.memory_space<hbm>>
        %dma_start3A_20 = arith.constant 9360 : i32
        %dma_start3A_21 = arith.constant 0 : i32
        %dma_start3A_22 = tpu.memref_slice %arg10[%dma_start3A_20, %dma_start3A_21] : memref<10240x128xf32, #tpu.memory_space<vmem_shared>> -> memref<640x128xf32, #tpu.memory_space<vmem_shared>>
        tpu.enqueue_dma source(%dma_start3A_22 : memref<640x128xf32, #tpu.memory_space<vmem_shared>>) target(%dma_start3A_19 : memref<640x128xf32, #tpu.memory_space<hbm>>) target_semaphore(%run_scoped3A : memref<!tpu.dma_semaphore, #tpu.memory_space<semaphore_mem>>)
        %dma_wait3A = arith.constant 9360 : i32
        %dma_wait3A_23 = arith.constant 0 : i32
        %dma_wait3A_24 = tpu.memref_slice %arg6[%arg0, %dma_wait3A, %dma_wait3A_23] : memref<2x10000x128xf32, #tpu.memory_space<hbm>> -> memref<1x640x128xf32, #tpu.memory_space<hbm>>
        %dma_wait3A_25 = tpu.memref_squeeze %dma_wait3A_24 : memref<1x640x128xf32, #tpu.memory_space<hbm>> -> memref<640x128xf32, #tpu.memory_space<hbm>>
        %dma_wait3A_26 = arith.constant 9360 : i32
        %dma_wait3A_27 = arith.constant 0 : i32
        %dma_wait3A_28 = tpu.memref_slice %arg10[%dma_wait3A_26, %dma_wait3A_27] : memref<10240x128xf32, #tpu.memory_space<vmem_shared>> -> memref<640x128xf32, #tpu.memory_space<vmem_shared>>
        tpu.wait_dma2 semaphore(%run_scoped3A : memref<!tpu.dma_semaphore, #tpu.memory_space<semaphore_mem>>) src(%dma_wait3A_28 : memref<640x128xf32, #tpu.memory_space<vmem_shared>>) dst(%dma_wait3A_25 : memref<640x128xf32, #tpu.memory_space<hbm>>)
        tpu.yield
      }) : () -> ()
    } else {
    }
    return
  }
}

#map = affine_map<(d0, d1) -> (0, 0, 0)>
#map1 = affine_map<(d0, d1) -> (0)>
#map2 = affine_map<(d0, d1) -> (0, 0)>
module attributes {stable_mosaic.version = 14 : i64} {
  func.func @_deg_body(%arg0: i32, %arg1: i32, %arg2: memref<32x80x128xi32, #tpu.memory_space<hbm>>, %arg3: memref<10240xf32, #tpu.memory_space<hbm>>, %arg4: memref<2x10240xf32, #tpu.memory_space<hbm>>, %arg5: memref<80x128xi32, #tpu.memory_space<vmem>>, %arg6: memref<128xf32, #tpu.memory_space<vmem>>, %arg7: memref<10240xf32, #tpu.memory_space<vmem_shared>>, %arg8: memref<!tpu.dma_semaphore, #tpu.memory_space<semaphore_mem>>) attributes {dimension_semantics = [#tpu.dimension_semantics<core_parallel>, #tpu.dimension_semantics<subcore_parallel>], iteration_bounds = array<i64: 2, 16>, scalar_prefetch = 0 : i64, scratch_operands = 4 : i64, tpu.core_type = #tpu.core_type<sc_vector_subcore>, window_params = [{transform_indices = #map}, {transform_indices = #map1}, {transform_indices = #map2}]} {
    %mul3A = arith.constant 16 : i32
    %mul3A_0 = arith.muli %arg0, %mul3A : i32
    %add3A = arith.addi %mul3A_0, %arg1 : i32
    "tpu.region"() ({
      %run_scoped3A = tpu.sem_alloc : memref<!tpu.dma_semaphore, #tpu.memory_space<semaphore_mem>>
      %dma_start3A = arith.constant 0 : i32
      %dma_start3A_66 = arith.constant 0 : i32
      %dma_start3A_67 = tpu.memref_slice %arg2[%add3A, %dma_start3A, %dma_start3A_66] : memref<32x80x128xi32, #tpu.memory_space<hbm>> -> memref<1x80x128xi32, #tpu.memory_space<hbm>>
      %dma_start3A_68 = tpu.memref_squeeze %dma_start3A_67 : memref<1x80x128xi32, #tpu.memory_space<hbm>> -> memref<80x128xi32, #tpu.memory_space<hbm>>
      %dma_start3A_69 = arith.constant 0 : i32
      %dma_start3A_70 = arith.constant 0 : i32
      %dma_start3A_71 = tpu.memref_slice %arg2[%add3A, %dma_start3A_69, %dma_start3A_70] : memref<32x80x128xi32, #tpu.memory_space<hbm>> -> memref<1x80x128xi32, #tpu.memory_space<hbm>>
      %dma_start3A_72 = tpu.memref_squeeze %dma_start3A_71 : memref<1x80x128xi32, #tpu.memory_space<hbm>> -> memref<80x128xi32, #tpu.memory_space<hbm>>
      tpu.enqueue_dma source(%dma_start3A_72 : memref<80x128xi32, #tpu.memory_space<hbm>>) target(%arg5 : memref<80x128xi32, #tpu.memory_space<vmem>>) target_semaphore(%run_scoped3A : memref<!tpu.dma_semaphore, #tpu.memory_space<semaphore_mem>>)
      %dma_wait3A = arith.constant 0 : i32
      %dma_wait3A_73 = arith.constant 0 : i32
      %dma_wait3A_74 = tpu.memref_slice %arg2[%add3A, %dma_wait3A, %dma_wait3A_73] : memref<32x80x128xi32, #tpu.memory_space<hbm>> -> memref<1x80x128xi32, #tpu.memory_space<hbm>>
      %dma_wait3A_75 = tpu.memref_squeeze %dma_wait3A_74 : memref<1x80x128xi32, #tpu.memory_space<hbm>> -> memref<80x128xi32, #tpu.memory_space<hbm>>
      %dma_wait3A_76 = arith.constant 0 : i32
      %dma_wait3A_77 = arith.constant 0 : i32
      %dma_wait3A_78 = tpu.memref_slice %arg2[%add3A, %dma_wait3A_76, %dma_wait3A_77] : memref<32x80x128xi32, #tpu.memory_space<hbm>> -> memref<1x80x128xi32, #tpu.memory_space<hbm>>
      %dma_wait3A_79 = tpu.memref_squeeze %dma_wait3A_78 : memref<1x80x128xi32, #tpu.memory_space<hbm>> -> memref<80x128xi32, #tpu.memory_space<hbm>>
      tpu.wait_dma2 semaphore(%run_scoped3A : memref<!tpu.dma_semaphore, #tpu.memory_space<semaphore_mem>>) src(%dma_wait3A_79 : memref<80x128xi32, #tpu.memory_space<hbm>>) dst(%arg5 : memref<80x128xi32, #tpu.memory_space<vmem>>)
      tpu.yield
    }) : () -> ()
    %broadcast_in_dim3A = arith.constant 1.000000e+00 : f32
    %broadcast_in_dim3A_1 = vector.broadcast %broadcast_in_dim3A : f32 to vector<16xf32>
    %swap3A = arith.constant 0 : index
    %swap3A_2 = tpu.vector_load %arg6[%swap3A] {strides = array<i32>} : memref<128xf32, #tpu.memory_space<vmem>>, vector<16xf32>,
    %swap3A_3 = vector.shape_cast %swap3A_2 : vector<16xf32> to vector<16xf32>
    %swap3A_4 = vector.shape_cast %broadcast_in_dim3A_1 : vector<16xf32> to vector<16xf32>
    tpu.vector_store %arg6[%swap3A], %swap3A_4 {strides = array<i32>} : memref<128xf32, #tpu.memory_space<vmem>>, vector<16xf32>,
    %broadcast_in_dim3A_5 = arith.constant 1.000000e+00 : f32
    %broadcast_in_dim3A_6 = vector.broadcast %broadcast_in_dim3A_5 : f32 to vector<16xf32>
    %swap3A_7 = arith.constant 16 : index
    %swap3A_8 = tpu.vector_load %arg6[%swap3A_7] {strides = array<i32>} : memref<128xf32, #tpu.memory_space<vmem>>, vector<16xf32>,
    %swap3A_9 = vector.shape_cast %swap3A_8 : vector<16xf32> to vector<16xf32>
    %swap3A_10 = vector.shape_cast %broadcast_in_dim3A_6 : vector<16xf32> to vector<16xf32>
    tpu.vector_store %arg6[%swap3A_7], %swap3A_10 {strides = array<i32>} : memref<128xf32, #tpu.memory_space<vmem>>, vector<16xf32>,
    %broadcast_in_dim3A_11 = arith.constant 1.000000e+00 : f32
    %broadcast_in_dim3A_12 = vector.broadcast %broadcast_in_dim3A_11 : f32 to vector<16xf32>
    %swap3A_13 = arith.constant 32 : index
    %swap3A_14 = tpu.vector_load %arg6[%swap3A_13] {strides = array<i32>} : memref<128xf32, #tpu.memory_space<vmem>>, vector<16xf32>,
    %swap3A_15 = vector.shape_cast %swap3A_14 : vector<16xf32> to vector<16xf32>
    %swap3A_16 = vector.shape_cast %broadcast_in_dim3A_12 : vector<16xf32> to vector<16xf32>
    tpu.vector_store %arg6[%swap3A_13], %swap3A_16 {strides = array<i32>} : memref<128xf32, #tpu.memory_space<vmem>>, vector<16xf32>,
    %broadcast_in_dim3A_17 = arith.constant 1.000000e+00 : f32
    %broadcast_in_dim3A_18 = vector.broadcast %broadcast_in_dim3A_17 : f32 to vector<16xf32>
    %swap3A_19 = arith.constant 48 : index
    %swap3A_20 = tpu.vector_load %arg6[%swap3A_19] {strides = array<i32>} : memref<128xf32, #tpu.memory_space<vmem>>, vector<16xf32>,
    %swap3A_21 = vector.shape_cast %swap3A_20 : vector<16xf32> to vector<16xf32>
    %swap3A_22 = vector.shape_cast %broadcast_in_dim3A_18 : vector<16xf32> to vector<16xf32>
    tpu.vector_store %arg6[%swap3A_19], %swap3A_22 {strides = array<i32>} : memref<128xf32, #tpu.memory_space<vmem>>, vector<16xf32>,
    %broadcast_in_dim3A_23 = arith.constant 1.000000e+00 : f32
    %broadcast_in_dim3A_24 = vector.broadcast %broadcast_in_dim3A_23 : f32 to vector<16xf32>
    %swap3A_25 = arith.constant 64 : index
    %swap3A_26 = tpu.vector_load %arg6[%swap3A_25] {strides = array<i32>} : memref<128xf32, #tpu.memory_space<vmem>>, vector<16xf32>,
    %swap3A_27 = vector.shape_cast %swap3A_26 : vector<16xf32> to vector<16xf32>
    %swap3A_28 = vector.shape_cast %broadcast_in_dim3A_24 : vector<16xf32> to vector<16xf32>
    tpu.vector_store %arg6[%swap3A_25], %swap3A_28 {strides = array<i32>} : memref<128xf32, #tpu.memory_space<vmem>>, vector<16xf32>,
    %broadcast_in_dim3A_29 = arith.constant 1.000000e+00 : f32
    %broadcast_in_dim3A_30 = vector.broadcast %broadcast_in_dim3A_29 : f32 to vector<16xf32>
    %swap3A_31 = arith.constant 80 : index
    %swap3A_32 = tpu.vector_load %arg6[%swap3A_31] {strides = array<i32>} : memref<128xf32, #tpu.memory_space<vmem>>, vector<16xf32>,
    %swap3A_33 = vector.shape_cast %swap3A_32 : vector<16xf32> to vector<16xf32>
    %swap3A_34 = vector.shape_cast %broadcast_in_dim3A_30 : vector<16xf32> to vector<16xf32>
    tpu.vector_store %arg6[%swap3A_31], %swap3A_34 {strides = array<i32>} : memref<128xf32, #tpu.memory_space<vmem>>, vector<16xf32>,
    %broadcast_in_dim3A_35 = arith.constant 1.000000e+00 : f32
    %broadcast_in_dim3A_36 = vector.broadcast %broadcast_in_dim3A_35 : f32 to vector<16xf32>
    %swap3A_37 = arith.constant 96 : index
    %swap3A_38 = tpu.vector_load %arg6[%swap3A_37] {strides = array<i32>} : memref<128xf32, #tpu.memory_space<vmem>>, vector<16xf32>,
    %swap3A_39 = vector.shape_cast %swap3A_38 : vector<16xf32> to vector<16xf32>
    %swap3A_40 = vector.shape_cast %broadcast_in_dim3A_36 : vector<16xf32> to vector<16xf32>
    tpu.vector_store %arg6[%swap3A_37], %swap3A_40 {strides = array<i32>} : memref<128xf32, #tpu.memory_space<vmem>>, vector<16xf32>,
    %broadcast_in_dim3A_41 = arith.constant 1.000000e+00 : f32
    %broadcast_in_dim3A_42 = vector.broadcast %broadcast_in_dim3A_41 : f32 to vector<16xf32>
    %swap3A_43 = arith.constant 112 : index
    %swap3A_44 = tpu.vector_load %arg6[%swap3A_43] {strides = array<i32>} : memref<128xf32, #tpu.memory_space<vmem>>, vector<16xf32>,
    %swap3A_45 = vector.shape_cast %swap3A_44 : vector<16xf32> to vector<16xf32>
    %swap3A_46 = vector.shape_cast %broadcast_in_dim3A_42 : vector<16xf32> to vector<16xf32>
    tpu.vector_store %arg6[%swap3A_43], %swap3A_46 {strides = array<i32>} : memref<128xf32, #tpu.memory_space<vmem>>, vector<16xf32>,
    %eq3A = arith.constant 0 : i32
    %eq3A_47 = arith.cmpi eq, %arg1, %eq3A : i32
    %convert_element_type3A = arith.extui %eq3A_47 : i1 to i32
    %cond3A = arith.constant 0 : i32
    %cond3A_48 = arith.cmpi ne, %convert_element_type3A, %cond3A : i32
    scf.if %cond3A_48 {
      "tpu.region"() ({
        %run_scoped3A = tpu.sem_alloc : memref<!tpu.dma_semaphore, #tpu.memory_space<semaphore_mem>>
        tpu.enqueue_dma source(%arg3 : memref<10240xf32, #tpu.memory_space<hbm>>) target(%arg7 : memref<10240xf32, #tpu.memory_space<vmem_shared>>) target_semaphore(%run_scoped3A : memref<!tpu.dma_semaphore, #tpu.memory_space<semaphore_mem>>)
        tpu.wait_dma2 semaphore(%run_scoped3A : memref<!tpu.dma_semaphore, #tpu.memory_space<semaphore_mem>>) src(%arg3 : memref<10240xf32, #tpu.memory_space<hbm>>) dst(%arg7 : memref<10240xf32, #tpu.memory_space<vmem_shared>>)
        tpu.yield
      }) : () -> ()
    } else {
    }
    %barrier3A = arith.constant 0 : index
    tpu.barrier barrier_id(%barrier3A)
    %scan3A = arith.constant 0 : i32
    %scan3A_49 = arith.constant 0 : i32
    %scan3A_50 = arith.constant 80 : i32
    %scan3A_51 = arith.addi %scan3A_49, %scan3A_50 : i32
    %scan3A_52 = arith.constant 1 : i32
    scf.for %scan3A_66 = %scan3A_49 to %scan3A_51 step %scan3A_52  : i32 {
      %dma_start3A = arith.constant 0 : i32
      %dma_start3A_67 = tpu.memref_slice %arg5[%scan3A_66, %dma_start3A] : memref<80x128xi32, #tpu.memory_space<vmem>> -> memref<1x128xi32, #tpu.memory_space<vmem>>
      %dma_start3A_68 = tpu.memref_squeeze %dma_start3A_67 : memref<1x128xi32, #tpu.memory_space<vmem>> -> memref<128xi32, #tpu.memory_space<vmem>>
      %dma_start3A_69 = arith.constant 0 : i32
      %dma_start3A_70 = tpu.memref_slice %arg7[%dma_start3A_69] : memref<10240xf32, #tpu.memory_space<vmem_shared>> -> memref<10240xf32, #tpu.memory_space<vmem_shared>>
      tpu.enqueue_indirect_dma source(%arg6 : memref<128xf32, #tpu.memory_space<vmem>>) target(%dma_start3A_70 : memref<10240xf32, #tpu.memory_space<vmem_shared>>) offsets(%dma_start3A_68 : memref<128xi32, #tpu.memory_space<vmem>>) semaphore(%arg8 : memref<!tpu.dma_semaphore, #tpu.memory_space<semaphore_mem>>) {add = true}
    }
    %scan3A_53 = arith.constant 80 : i32
    %scan3A_54 = arith.constant 0 : i32
    %scan3A_55 = arith.constant 0 : i32
    %scan3A_56 = arith.constant 80 : i32
    %scan3A_57 = arith.addi %scan3A_55, %scan3A_56 : i32
    %scan3A_58 = arith.constant 1 : i32
    scf.for %scan3A_66 = %scan3A_55 to %scan3A_57 step %scan3A_58  : i32 {
      %dma_wait3A = arith.constant 0 : i32
      %dma_wait3A_67 = tpu.memref_slice %arg5[%scan3A_66, %dma_wait3A] : memref<80x128xi32, #tpu.memory_space<vmem>> -> memref<1x128xi32, #tpu.memory_space<vmem>>
      %dma_wait3A_68 = tpu.memref_squeeze %dma_wait3A_67 : memref<1x128xi32, #tpu.memory_space<vmem>> -> memref<128xi32, #tpu.memory_space<vmem>>
      %dma_wait3A_69 = arith.constant 0 : i32
      %dma_wait3A_70 = tpu.memref_slice %arg7[%dma_wait3A_69] : memref<10240xf32, #tpu.memory_space<vmem_shared>> -> memref<10240xf32, #tpu.memory_space<vmem_shared>>
      tpu.wait_indirect_dma semaphore(%arg8 : memref<!tpu.dma_semaphore, #tpu.memory_space<semaphore_mem>>) src(%arg6 : memref<128xf32, #tpu.memory_space<vmem>>) dst(%dma_wait3A_70 : memref<10240xf32, #tpu.memory_space<vmem_shared>>)
    }
    %scan3A_59 = arith.constant 80 : i32
    %barrier3A_60 = arith.constant 0 : index
    tpu.barrier barrier_id(%barrier3A_60)
    %eq3A_61 = arith.constant 0 : i32
    %eq3A_62 = arith.cmpi eq, %arg1, %eq3A_61 : i32
    %convert_element_type3A_63 = arith.extui %eq3A_62 : i1 to i32
    %cond3A_64 = arith.constant 0 : i32
    %cond3A_65 = arith.cmpi ne, %convert_element_type3A_63, %cond3A_64 : i32
    scf.if %cond3A_65 {
      "tpu.region"() ({
        %run_scoped3A = tpu.sem_alloc : memref<!tpu.dma_semaphore, #tpu.memory_space<semaphore_mem>>
        %dma_start3A = arith.constant 0 : i32
        %dma_start3A_66 = tpu.memref_slice %arg4[%arg0, %dma_start3A] : memref<2x10240xf32, #tpu.memory_space<hbm>> -> memref<1x10240xf32, #tpu.memory_space<hbm>>
        %dma_start3A_67 = tpu.memref_squeeze %dma_start3A_66 : memref<1x10240xf32, #tpu.memory_space<hbm>> -> memref<10240xf32, #tpu.memory_space<hbm>>
        tpu.enqueue_dma source(%arg7 : memref<10240xf32, #tpu.memory_space<vmem_shared>>) target(%dma_start3A_67 : memref<10240xf32, #tpu.memory_space<hbm>>) target_semaphore(%run_scoped3A : memref<!tpu.dma_semaphore, #tpu.memory_space<semaphore_mem>>)
        %dma_wait3A = arith.constant 0 : i32
        %dma_wait3A_68 = tpu.memref_slice %arg4[%arg0, %dma_wait3A] : memref<2x10240xf32, #tpu.memory_space<hbm>> -> memref<1x10240xf32, #tpu.memory_space<hbm>>
        %dma_wait3A_69 = tpu.memref_squeeze %dma_wait3A_68 : memref<1x10240xf32, #tpu.memory_space<hbm>> -> memref<10240xf32, #tpu.memory_space<hbm>>
        tpu.wait_dma2 semaphore(%run_scoped3A : memref<!tpu.dma_semaphore, #tpu.memory_space<semaphore_mem>>) src(%arg7 : memref<10240xf32, #tpu.memory_space<vmem_shared>>) dst(%dma_wait3A_69 : memref<10240xf32, #tpu.memory_space<hbm>>)
        tpu.yield
      }) : () -> ()
    } else {
    }
    return
  }
}

#map = affine_map<(d0, d1) -> (0, 0)>
#map1 = affine_map<(d0, d1) -> (0, 0, 0)>
module attributes {stable_mosaic.version = 14 : i64} {
  func.func @_agg_body(%arg0: i32, %arg1: i32, %arg2: memref<10000x128xf32, #tpu.memory_space<hbm>>, %arg3: memref<32x80x128xi32, #tpu.memory_space<hbm>>, %arg4: memref<32x80x128xi32, #tpu.memory_space<hbm>>, %arg5: memref<10240x128xf32, #tpu.memory_space<hbm>>, %arg6: memref<2x10000x128xf32, #tpu.memory_space<hbm>>, %arg7: memref<80x128xi32, #tpu.memory_space<vmem>>, %arg8: memref<80x128xi32, #tpu.memory_space<vmem>>, %arg9: memref<128x128xf32, #tpu.memory_space<vmem>>, %arg10: memref<10240x128xf32, #tpu.memory_space<vmem_shared>>, %arg11: memref<!tpu.dma_semaphore, #tpu.memory_space<semaphore_mem>>) attributes {dimension_semantics = [#tpu.dimension_semantics<core_parallel>, #tpu.dimension_semantics<subcore_parallel>], iteration_bounds = array<i64: 2, 16>, scalar_prefetch = 0 : i64, scratch_operands = 5 : i64, tpu.core_type = #tpu.core_type<sc_vector_subcore>, window_params = [{transform_indices = #map}, {transform_indices = #map1}, {transform_indices = #map1}, {transform_indices = #map}, {transform_indices = #map1}]} {
    %mul3A = arith.constant 16 : i32
    %mul3A_0 = arith.muli %arg0, %mul3A : i32
    %add3A = arith.addi %mul3A_0, %arg1 : i32
    "tpu.region"() ({
      %run_scoped3A = tpu.sem_alloc : memref<!tpu.dma_semaphore, #tpu.memory_space<semaphore_mem>>
      %dma_start3A = arith.constant 0 : i32
      %dma_start3A_17 = arith.constant 0 : i32
      %dma_start3A_18 = tpu.memref_slice %arg3[%add3A, %dma_start3A, %dma_start3A_17] : memref<32x80x128xi32, #tpu.memory_space<hbm>> -> memref<1x80x128xi32, #tpu.memory_space<hbm>>
      %dma_start3A_19 = tpu.memref_squeeze %dma_start3A_18 : memref<1x80x128xi32, #tpu.memory_space<hbm>> -> memref<80x128xi32, #tpu.memory_space<hbm>>
      %dma_start3A_20 = arith.constant 0 : i32
      %dma_start3A_21 = arith.constant 0 : i32
      %dma_start3A_22 = tpu.memref_slice %arg3[%add3A, %dma_start3A_20, %dma_start3A_21] : memref<32x80x128xi32, #tpu.memory_space<hbm>> -> memref<1x80x128xi32, #tpu.memory_space<hbm>>
      %dma_start3A_23 = tpu.memref_squeeze %dma_start3A_22 : memref<1x80x128xi32, #tpu.memory_space<hbm>> -> memref<80x128xi32, #tpu.memory_space<hbm>>
      tpu.enqueue_dma source(%dma_start3A_23 : memref<80x128xi32, #tpu.memory_space<hbm>>) target(%arg7 : memref<80x128xi32, #tpu.memory_space<vmem>>) target_semaphore(%run_scoped3A : memref<!tpu.dma_semaphore, #tpu.memory_space<semaphore_mem>>)
      %dma_wait3A = arith.constant 0 : i32
      %dma_wait3A_24 = arith.constant 0 : i32
      %dma_wait3A_25 = tpu.memref_slice %arg3[%add3A, %dma_wait3A, %dma_wait3A_24] : memref<32x80x128xi32, #tpu.memory_space<hbm>> -> memref<1x80x128xi32, #tpu.memory_space<hbm>>
      %dma_wait3A_26 = tpu.memref_squeeze %dma_wait3A_25 : memref<1x80x128xi32, #tpu.memory_space<hbm>> -> memref<80x128xi32, #tpu.memory_space<hbm>>
      %dma_wait3A_27 = arith.constant 0 : i32
      %dma_wait3A_28 = arith.constant 0 : i32
      %dma_wait3A_29 = tpu.memref_slice %arg3[%add3A, %dma_wait3A_27, %dma_wait3A_28] : memref<32x80x128xi32, #tpu.memory_space<hbm>> -> memref<1x80x128xi32, #tpu.memory_space<hbm>>
      %dma_wait3A_30 = tpu.memref_squeeze %dma_wait3A_29 : memref<1x80x128xi32, #tpu.memory_space<hbm>> -> memref<80x128xi32, #tpu.memory_space<hbm>>
      tpu.wait_dma2 semaphore(%run_scoped3A : memref<!tpu.dma_semaphore, #tpu.memory_space<semaphore_mem>>) src(%dma_wait3A_30 : memref<80x128xi32, #tpu.memory_space<hbm>>) dst(%arg7 : memref<80x128xi32, #tpu.memory_space<vmem>>)
      tpu.yield
    }) : () -> ()
    "tpu.region"() ({
      %run_scoped3A = tpu.sem_alloc : memref<!tpu.dma_semaphore, #tpu.memory_space<semaphore_mem>>
      %dma_start3A = arith.constant 0 : i32
      %dma_start3A_17 = arith.constant 0 : i32
      %dma_start3A_18 = tpu.memref_slice %arg4[%add3A, %dma_start3A, %dma_start3A_17] : memref<32x80x128xi32, #tpu.memory_space<hbm>> -> memref<1x80x128xi32, #tpu.memory_space<hbm>>
      %dma_start3A_19 = tpu.memref_squeeze %dma_start3A_18 : memref<1x80x128xi32, #tpu.memory_space<hbm>> -> memref<80x128xi32, #tpu.memory_space<hbm>>
      %dma_start3A_20 = arith.constant 0 : i32
      %dma_start3A_21 = arith.constant 0 : i32
      %dma_start3A_22 = tpu.memref_slice %arg4[%add3A, %dma_start3A_20, %dma_start3A_21] : memref<32x80x128xi32, #tpu.memory_space<hbm>> -> memref<1x80x128xi32, #tpu.memory_space<hbm>>
      %dma_start3A_23 = tpu.memref_squeeze %dma_start3A_22 : memref<1x80x128xi32, #tpu.memory_space<hbm>> -> memref<80x128xi32, #tpu.memory_space<hbm>>
      tpu.enqueue_dma source(%dma_start3A_23 : memref<80x128xi32, #tpu.memory_space<hbm>>) target(%arg8 : memref<80x128xi32, #tpu.memory_space<vmem>>) target_semaphore(%run_scoped3A : memref<!tpu.dma_semaphore, #tpu.memory_space<semaphore_mem>>)
      %dma_wait3A = arith.constant 0 : i32
      %dma_wait3A_24 = arith.constant 0 : i32
      %dma_wait3A_25 = tpu.memref_slice %arg4[%add3A, %dma_wait3A, %dma_wait3A_24] : memref<32x80x128xi32, #tpu.memory_space<hbm>> -> memref<1x80x128xi32, #tpu.memory_space<hbm>>
      %dma_wait3A_26 = tpu.memref_squeeze %dma_wait3A_25 : memref<1x80x128xi32, #tpu.memory_space<hbm>> -> memref<80x128xi32, #tpu.memory_space<hbm>>
      %dma_wait3A_27 = arith.constant 0 : i32
      %dma_wait3A_28 = arith.constant 0 : i32
      %dma_wait3A_29 = tpu.memref_slice %arg4[%add3A, %dma_wait3A_27, %dma_wait3A_28] : memref<32x80x128xi32, #tpu.memory_space<hbm>> -> memref<1x80x128xi32, #tpu.memory_space<hbm>>
      %dma_wait3A_30 = tpu.memref_squeeze %dma_wait3A_29 : memref<1x80x128xi32, #tpu.memory_space<hbm>> -> memref<80x128xi32, #tpu.memory_space<hbm>>
      tpu.wait_dma2 semaphore(%run_scoped3A : memref<!tpu.dma_semaphore, #tpu.memory_space<semaphore_mem>>) src(%dma_wait3A_30 : memref<80x128xi32, #tpu.memory_space<hbm>>) dst(%arg8 : memref<80x128xi32, #tpu.memory_space<vmem>>)
      tpu.yield
    }) : () -> ()
    %mul3A_1 = arith.constant 640 : i32
    %mul3A_2 = arith.muli %arg1, %mul3A_1 : i32
    %mul3A_3 = arith.constant 640 : i32
    %mul3A_4 = arith.muli %arg1, %mul3A_3 : i32
    "tpu.region"() ({
      %run_scoped3A = tpu.sem_alloc : memref<!tpu.dma_semaphore, #tpu.memory_space<semaphore_mem>>
      %dma_start3A = arith.constant 0 : i32
      %dma_start3A_17 = tpu.memref_slice %arg10[%mul3A_4, %dma_start3A] : memref<10240x128xf32, #tpu.memory_space<vmem_shared>> -> memref<640x128xf32, #tpu.memory_space<vmem_shared>>
      %dma_start3A_18 = arith.constant 0 : i32
      %dma_start3A_19 = tpu.memref_slice %arg5[%mul3A_2, %dma_start3A_18] : memref<10240x128xf32, #tpu.memory_space<hbm>> -> memref<640x128xf32, #tpu.memory_space<hbm>>
      tpu.enqueue_dma source(%dma_start3A_19 : memref<640x128xf32, #tpu.memory_space<hbm>>) target(%dma_start3A_17 : memref<640x128xf32, #tpu.memory_space<vmem_shared>>) target_semaphore(%run_scoped3A : memref<!tpu.dma_semaphore, #tpu.memory_space<semaphore_mem>>)
      %dma_wait3A = arith.constant 0 : i32
      %dma_wait3A_20 = tpu.memref_slice %arg10[%mul3A_4, %dma_wait3A] : memref<10240x128xf32, #tpu.memory_space<vmem_shared>> -> memref<640x128xf32, #tpu.memory_space<vmem_shared>>
      %dma_wait3A_21 = arith.constant 0 : i32
      %dma_wait3A_22 = tpu.memref_slice %arg5[%mul3A_2, %dma_wait3A_21] : memref<10240x128xf32, #tpu.memory_space<hbm>> -> memref<640x128xf32, #tpu.memory_space<hbm>>
      tpu.wait_dma2 semaphore(%run_scoped3A : memref<!tpu.dma_semaphore, #tpu.memory_space<semaphore_mem>>) src(%dma_wait3A_22 : memref<640x128xf32, #tpu.memory_space<hbm>>) dst(%dma_wait3A_20 : memref<640x128xf32, #tpu.memory_space<vmem_shared>>)
      tpu.yield
    }) : () -> ()
    %barrier3A = arith.constant 0 : index
    tpu.barrier barrier_id(%barrier3A)
    %scan3A = arith.constant 0 : i32
    %scan3A_5 = arith.constant 0 : i32
    %scan3A_6 = arith.constant 40 : i32
    %scan3A_7 = arith.addi %scan3A_5, %scan3A_6 : i32
    %scan3A_8 = arith.constant 1 : i32
    scf.for %scan3A_17 = %scan3A_5 to %scan3A_7 step %scan3A_8  : i32 {
      %mul3A_18 = arith.constant 2 : i32
      %mul3A_19 = arith.muli %scan3A_17, %mul3A_18 : i32
      %add3A_20 = arith.constant 0 : i32
      %add3A_21 = arith.addi %mul3A_19, %add3A_20 : i32
      %dma_start3A = arith.constant 0 : i32
      %dma_start3A_22 = tpu.memref_slice %arg7[%add3A_21, %dma_start3A] : memref<80x128xi32, #tpu.memory_space<vmem>> -> memref<1x128xi32, #tpu.memory_space<vmem>>
      %dma_start3A_23 = tpu.memref_squeeze %dma_start3A_22 : memref<1x128xi32, #tpu.memory_space<vmem>> -> memref<128xi32, #tpu.memory_space<vmem>>
      %dma_start3A_24 = arith.constant 0 : i32
      %dma_start3A_25 = arith.constant 0 : i32
      %dma_start3A_26 = tpu.memref_slice %arg2[%dma_start3A_24, %dma_start3A_25] : memref<10000x128xf32, #tpu.memory_space<hbm>> -> memref<10000x128xf32, #tpu.memory_space<hbm>>
      tpu.enqueue_indirect_dma source(%dma_start3A_26 : memref<10000x128xf32, #tpu.memory_space<hbm>>) target(%arg9 : memref<128x128xf32, #tpu.memory_space<vmem>>) offsets(%dma_start3A_23 : memref<128xi32, #tpu.memory_space<vmem>>) semaphore(%arg11 : memref<!tpu.dma_semaphore, #tpu.memory_space<semaphore_mem>>)
      %dma_wait3A = arith.constant 0 : i32
      %dma_wait3A_27 = tpu.memref_slice %arg7[%add3A_21, %dma_wait3A] : memref<80x128xi32, #tpu.memory_space<vmem>> -> memref<1x128xi32, #tpu.memory_space<vmem>>
      %dma_wait3A_28 = tpu.memref_squeeze %dma_wait3A_27 : memref<1x128xi32, #tpu.memory_space<vmem>> -> memref<128xi32, #tpu.memory_space<vmem>>
      %dma_wait3A_29 = arith.constant 0 : i32
      %dma_wait3A_30 = arith.constant 0 : i32
      %dma_wait3A_31 = tpu.memref_slice %arg2[%dma_wait3A_29, %dma_wait3A_30] : memref<10000x128xf32, #tpu.memory_space<hbm>> -> memref<10000x128xf32, #tpu.memory_space<hbm>>
      tpu.wait_indirect_dma semaphore(%arg11 : memref<!tpu.dma_semaphore, #tpu.memory_space<semaphore_mem>>) src(%dma_wait3A_31 : memref<10000x128xf32, #tpu.memory_space<hbm>>) dst(%arg9 : memref<128x128xf32, #tpu.memory_space<vmem>>)
      "tpu.region"() ({
        %run_scoped3A = tpu.sem_alloc : memref<!tpu.dma_semaphore, #tpu.memory_space<semaphore_mem>>
        %dma_start3A_48 = arith.constant 0 : i32
        %dma_start3A_49 = tpu.memref_slice %arg8[%add3A_21, %dma_start3A_48] : memref<80x128xi32, #tpu.memory_space<vmem>> -> memref<1x128xi32, #tpu.memory_space<vmem>>
        %dma_start3A_50 = tpu.memref_squeeze %dma_start3A_49 : memref<1x128xi32, #tpu.memory_space<vmem>> -> memref<128xi32, #tpu.memory_space<vmem>>
        %dma_start3A_51 = arith.constant 0 : i32
        %dma_start3A_52 = arith.constant 0 : i32
        %dma_start3A_53 = tpu.memref_slice %arg10[%dma_start3A_51, %dma_start3A_52] : memref<10240x128xf32, #tpu.memory_space<vmem_shared>> -> memref<10240x128xf32, #tpu.memory_space<vmem_shared>>
        tpu.enqueue_indirect_dma source(%arg9 : memref<128x128xf32, #tpu.memory_space<vmem>>) target(%dma_start3A_53 : memref<10240x128xf32, #tpu.memory_space<vmem_shared>>) offsets(%dma_start3A_50 : memref<128xi32, #tpu.memory_space<vmem>>) semaphore(%run_scoped3A : memref<!tpu.dma_semaphore, #tpu.memory_space<semaphore_mem>>) {add = true}
        %dma_wait3A_54 = arith.constant 0 : i32
        %dma_wait3A_55 = tpu.memref_slice %arg8[%add3A_21, %dma_wait3A_54] : memref<80x128xi32, #tpu.memory_space<vmem>> -> memref<1x128xi32, #tpu.memory_space<vmem>>
        %dma_wait3A_56 = tpu.memref_squeeze %dma_wait3A_55 : memref<1x128xi32, #tpu.memory_space<vmem>> -> memref<128xi32, #tpu.memory_space<vmem>>
        %dma_wait3A_57 = arith.constant 0 : i32
        %dma_wait3A_58 = arith.constant 0 : i32
        %dma_wait3A_59 = tpu.memref_slice %arg10[%dma_wait3A_57, %dma_wait3A_58] : memref<10240x128xf32, #tpu.memory_space<vmem_shared>> -> memref<10240x128xf32, #tpu.memory_space<vmem_shared>>
        tpu.wait_indirect_dma semaphore(%run_scoped3A : memref<!tpu.dma_semaphore, #tpu.memory_space<semaphore_mem>>) src(%arg9 : memref<128x128xf32, #tpu.memory_space<vmem>>) dst(%dma_wait3A_59 : memref<10240x128xf32, #tpu.memory_space<vmem_shared>>)
        tpu.yield
      }) : () -> ()
      %mul3A_32 = arith.constant 2 : i32
      %mul3A_33 = arith.muli %scan3A_17, %mul3A_32 : i32
      %add3A_34 = arith.constant 1 : i32
      %add3A_35 = arith.addi %mul3A_33, %add3A_34 : i32
      %dma_start3A_36 = arith.constant 0 : i32
      %dma_start3A_37 = tpu.memref_slice %arg7[%add3A_35, %dma_start3A_36] : memref<80x128xi32, #tpu.memory_space<vmem>> -> memref<1x128xi32, #tpu.memory_space<vmem>>
      %dma_start3A_38 = tpu.memref_squeeze %dma_start3A_37 : memref<1x128xi32, #tpu.memory_space<vmem>> -> memref<128xi32, #tpu.memory_space<vmem>>
      %dma_start3A_39 = arith.constant 0 : i32
      %dma_start3A_40 = arith.constant 0 : i32
      %dma_start3A_41 = tpu.memref_slice %arg2[%dma_start3A_39, %dma_start3A_40] : memref<10000x128xf32, #tpu.memory_space<hbm>> -> memref<10000x128xf32, #tpu.memory_space<hbm>>
      tpu.enqueue_indirect_dma source(%dma_start3A_41 : memref<10000x128xf32, #tpu.memory_space<hbm>>) target(%arg9 : memref<128x128xf32, #tpu.memory_space<vmem>>) offsets(%dma_start3A_38 : memref<128xi32, #tpu.memory_space<vmem>>) semaphore(%arg11 : memref<!tpu.dma_semaphore, #tpu.memory_space<semaphore_mem>>)
      %dma_wait3A_42 = arith.constant 0 : i32
      %dma_wait3A_43 = tpu.memref_slice %arg7[%add3A_35, %dma_wait3A_42] : memref<80x128xi32, #tpu.memory_space<vmem>> -> memref<1x128xi32, #tpu.memory_space<vmem>>
      %dma_wait3A_44 = tpu.memref_squeeze %dma_wait3A_43 : memref<1x128xi32, #tpu.memory_space<vmem>> -> memref<128xi32, #tpu.memory_space<vmem>>
      %dma_wait3A_45 = arith.constant 0 : i32
      %dma_wait3A_46 = arith.constant 0 : i32
      %dma_wait3A_47 = tpu.memref_slice %arg2[%dma_wait3A_45, %dma_wait3A_46] : memref<10000x128xf32, #tpu.memory_space<hbm>> -> memref<10000x128xf32, #tpu.memory_space<hbm>>
      tpu.wait_indirect_dma semaphore(%arg11 : memref<!tpu.dma_semaphore, #tpu.memory_space<semaphore_mem>>) src(%dma_wait3A_47 : memref<10000x128xf32, #tpu.memory_space<hbm>>) dst(%arg9 : memref<128x128xf32, #tpu.memory_space<vmem>>)
      "tpu.region"() ({
        %run_scoped3A = tpu.sem_alloc : memref<!tpu.dma_semaphore, #tpu.memory_space<semaphore_mem>>
        %dma_start3A_48 = arith.constant 0 : i32
        %dma_start3A_49 = tpu.memref_slice %arg8[%add3A_35, %dma_start3A_48] : memref<80x128xi32, #tpu.memory_space<vmem>> -> memref<1x128xi32, #tpu.memory_space<vmem>>
        %dma_start3A_50 = tpu.memref_squeeze %dma_start3A_49 : memref<1x128xi32, #tpu.memory_space<vmem>> -> memref<128xi32, #tpu.memory_space<vmem>>
        %dma_start3A_51 = arith.constant 0 : i32
        %dma_start3A_52 = arith.constant 0 : i32
        %dma_start3A_53 = tpu.memref_slice %arg10[%dma_start3A_51, %dma_start3A_52] : memref<10240x128xf32, #tpu.memory_space<vmem_shared>> -> memref<10240x128xf32, #tpu.memory_space<vmem_shared>>
        tpu.enqueue_indirect_dma source(%arg9 : memref<128x128xf32, #tpu.memory_space<vmem>>) target(%dma_start3A_53 : memref<10240x128xf32, #tpu.memory_space<vmem_shared>>) offsets(%dma_start3A_50 : memref<128xi32, #tpu.memory_space<vmem>>) semaphore(%run_scoped3A : memref<!tpu.dma_semaphore, #tpu.memory_space<semaphore_mem>>) {add = true}
        %dma_wait3A_54 = arith.constant 0 : i32
        %dma_wait3A_55 = tpu.memref_slice %arg8[%add3A_35, %dma_wait3A_54] : memref<80x128xi32, #tpu.memory_space<vmem>> -> memref<1x128xi32, #tpu.memory_space<vmem>>
        %dma_wait3A_56 = tpu.memref_squeeze %dma_wait3A_55 : memref<1x128xi32, #tpu.memory_space<vmem>> -> memref<128xi32, #tpu.memory_space<vmem>>
        %dma_wait3A_57 = arith.constant 0 : i32
        %dma_wait3A_58 = arith.constant 0 : i32
        %dma_wait3A_59 = tpu.memref_slice %arg10[%dma_wait3A_57, %dma_wait3A_58] : memref<10240x128xf32, #tpu.memory_space<vmem_shared>> -> memref<10240x128xf32, #tpu.memory_space<vmem_shared>>
        tpu.wait_indirect_dma semaphore(%run_scoped3A : memref<!tpu.dma_semaphore, #tpu.memory_space<semaphore_mem>>) src(%arg9 : memref<128x128xf32, #tpu.memory_space<vmem>>) dst(%dma_wait3A_59 : memref<10240x128xf32, #tpu.memory_space<vmem_shared>>)
        tpu.yield
      }) : () -> ()
    }
    %scan3A_9 = arith.constant 40 : i32
    %barrier3A_10 = arith.constant 0 : index
    tpu.barrier barrier_id(%barrier3A_10)
    %lt3A = arith.constant 15 : i32
    %lt3A_11 = arith.cmpi slt, %arg1, %lt3A : i32
    %convert_element_type3A = arith.extui %lt3A_11 : i1 to i32
    %cond3A = arith.constant 0 : i32
    %cond3A_12 = arith.cmpi ne, %convert_element_type3A, %cond3A : i32
    scf.if %cond3A_12 {
      %mul3A_17 = arith.constant 624 : i32
      %mul3A_18 = arith.muli %arg1, %mul3A_17 : i32
      %mul3A_19 = arith.constant 624 : i32
      %mul3A_20 = arith.muli %arg1, %mul3A_19 : i32
      "tpu.region"() ({
        %run_scoped3A = tpu.sem_alloc : memref<!tpu.dma_semaphore, #tpu.memory_space<semaphore_mem>>
        %dma_start3A = arith.constant 0 : i32
        %dma_start3A_21 = tpu.memref_slice %arg6[%arg0, %mul3A_20, %dma_start3A] : memref<2x10000x128xf32, #tpu.memory_space<hbm>> -> memref<1x624x128xf32, #tpu.memory_space<hbm>>
        %dma_start3A_22 = tpu.memref_squeeze %dma_start3A_21 : memref<1x624x128xf32, #tpu.memory_space<hbm>> -> memref<624x128xf32, #tpu.memory_space<hbm>>
        %dma_start3A_23 = arith.constant 0 : i32
        %dma_start3A_24 = tpu.memref_slice %arg10[%mul3A_18, %dma_start3A_23] : memref<10240x128xf32, #tpu.memory_space<vmem_shared>> -> memref<624x128xf32, #tpu.memory_space<vmem_shared>>
        tpu.enqueue_dma source(%dma_start3A_24 : memref<624x128xf32, #tpu.memory_space<vmem_shared>>) target(%dma_start3A_22 : memref<624x128xf32, #tpu.memory_space<hbm>>) target_semaphore(%run_scoped3A : memref<!tpu.dma_semaphore, #tpu.memory_space<semaphore_mem>>)
        %dma_wait3A = arith.constant 0 : i32
        %dma_wait3A_25 = tpu.memref_slice %arg6[%arg0, %mul3A_20, %dma_wait3A] : memref<2x10000x128xf32, #tpu.memory_space<hbm>> -> memref<1x624x128xf32, #tpu.memory_space<hbm>>
        %dma_wait3A_26 = tpu.memref_squeeze %dma_wait3A_25 : memref<1x624x128xf32, #tpu.memory_space<hbm>> -> memref<624x128xf32, #tpu.memory_space<hbm>>
        %dma_wait3A_27 = arith.constant 0 : i32
        %dma_wait3A_28 = tpu.memref_slice %arg10[%mul3A_18, %dma_wait3A_27] : memref<10240x128xf32, #tpu.memory_space<vmem_shared>> -> memref<624x128xf32, #tpu.memory_space<vmem_shared>>
        tpu.wait_dma2 semaphore(%run_scoped3A : memref<!tpu.dma_semaphore, #tpu.memory_space<semaphore_mem>>) src(%dma_wait3A_28 : memref<624x128xf32, #tpu.memory_space<vmem_shared>>) dst(%dma_wait3A_26 : memref<624x128xf32, #tpu.memory_space<hbm>>)
        tpu.yield
      }) : () -> ()
    } else {
    }
    %eq3A = arith.constant 15 : i32
    %eq3A_13 = arith.cmpi eq, %arg1, %eq3A : i32
    %convert_element_type3A_14 = arith.extui %eq3A_13 : i1 to i32
    %cond3A_15 = arith.constant 0 : i32
    %cond3A_16 = arith.cmpi ne, %convert_element_type3A_14, %cond3A_15 : i32
    scf.if %cond3A_16 {
      "tpu.region"() ({
        %run_scoped3A = tpu.sem_alloc : memref<!tpu.dma_semaphore, #tpu.memory_space<semaphore_mem>>
        %dma_start3A = arith.constant 9360 : i32
        %dma_start3A_17 = arith.constant 0 : i32
        %dma_start3A_18 = tpu.memref_slice %arg6[%arg0, %dma_start3A, %dma_start3A_17] : memref<2x10000x128xf32, #tpu.memory_space<hbm>> -> memref<1x640x128xf32, #tpu.memory_space<hbm>>
        %dma_start3A_19 = tpu.memref_squeeze %dma_start3A_18 : memref<1x640x128xf32, #tpu.memory_space<hbm>> -> memref<640x128xf32, #tpu.memory_space<hbm>>
        %dma_start3A_20 = arith.constant 9360 : i32
        %dma_start3A_21 = arith.constant 0 : i32
        %dma_start3A_22 = tpu.memref_slice %arg10[%dma_start3A_20, %dma_start3A_21] : memref<10240x128xf32, #tpu.memory_space<vmem_shared>> -> memref<640x128xf32, #tpu.memory_space<vmem_shared>>
        tpu.enqueue_dma source(%dma_start3A_22 : memref<640x128xf32, #tpu.memory_space<vmem_shared>>) target(%dma_start3A_19 : memref<640x128xf32, #tpu.memory_space<hbm>>) target_semaphore(%run_scoped3A : memref<!tpu.dma_semaphore, #tpu.memory_space<semaphore_mem>>)
        %dma_wait3A = arith.constant 9360 : i32
        %dma_wait3A_23 = arith.constant 0 : i32
        %dma_wait3A_24 = tpu.memref_slice %arg6[%arg0, %dma_wait3A, %dma_wait3A_23] : memref<2x10000x128xf32, #tpu.memory_space<hbm>> -> memref<1x640x128xf32, #tpu.memory_space<hbm>>
        %dma_wait3A_25 = tpu.memref_squeeze %dma_wait3A_24 : memref<1x640x128xf32, #tpu.memory_space<hbm>> -> memref<640x128xf32, #tpu.memory_space<hbm>>
        %dma_wait3A_26 = arith.constant 9360 : i32
        %dma_wait3A_27 = arith.constant 0 : i32
        %dma_wait3A_28 = tpu.memref_slice %arg10[%dma_wait3A_26, %dma_wait3A_27] : memref<10240x128xf32, #tpu.memory_space<vmem_shared>> -> memref<640x128xf32, #tpu.memory_space<vmem_shared>>
        tpu.wait_dma2 semaphore(%run_scoped3A : memref<!tpu.dma_semaphore, #tpu.memory_space<semaphore_mem>>) src(%dma_wait3A_28 : memref<640x128xf32, #tpu.memory_space<vmem_shared>>) dst(%dma_wait3A_25 : memref<640x128xf32, #tpu.memory_space<hbm>>)
        tpu.yield
      }) : () -> ()
    } else {
    }
    return
  }
}

module attributes {stable_mosaic.version = 14 : i64} {
  func.func @_prep_kernel(%arg0: i32, %arg1: memref<2x2000x1xf32, #tpu.memory_space<vmem>>, %arg2: memref<2000x128xf32, #tpu.memory_space<vmem>>, %arg3: memref<2000x1xf32, #tpu.memory_space<vmem>>, %arg4: memref<2000x128xf32, #tpu.memory_space<vmem>>) attributes {dimension_semantics = [#tpu.dimension_semantics<arbitrary>], iteration_bounds = array<i64: 5>, scalar_prefetch = 0 : i64, scratch_operands = 0 : i64, tpu.core_type = #tpu.core_type<tc>, window_params = [{transform_indices = @transform_0, window_bounds = array<i64: 2, 2000, 1>}, {transform_indices = @transform_1, window_bounds = array<i64: 2000, 128>}, {transform_indices = @transform_2, window_bounds = array<i64: 2000, 1>}, {transform_indices = @transform_3, window_bounds = array<i64: 2000, 128>}]} {
    %get3A = arith.constant 0 : index
    %get3A_0 = arith.constant 0 : index
    %get3A_1 = arith.constant 0 : index
    %get3A_2 = vector.load %arg1[%get3A, %get3A_0, %get3A_1] : memref<2x2000x1xf32, #tpu.memory_space<vmem>>, vector<2x2000x1xf32>
    %reduce_sum3A = arith.constant dense<0.000000e+00> : vector<2000x1xf32>
    %reduce_sum3A_3 = vector.multi_reduction <add>, %get3A_2, %reduce_sum3A [0] : vector<2x2000x1xf32> to vector<2000x1xf32>
    %add3A = arith.constant 1.000000e+00 : f32
    %add3A_4 = vector.broadcast %add3A : f32 to vector<2000x1xf32>
    %add3A_5 = arith.addf %reduce_sum3A_3, %add3A_4 : vector<2000x1xf32>
    %rsqrt3A = math.rsqrt %add3A_5 : vector<2000x1xf32>
    %swap3A = arith.constant 0 : index
    %swap3A_6 = arith.constant 0 : index
    %swap3A_7 = vector.load %arg3[%swap3A, %swap3A_6] : memref<2000x1xf32, #tpu.memory_space<vmem>>, vector<2000x1xf32>
    tpu.vector_store %arg3[%swap3A, %swap3A_6], %rsqrt3A {strides = array<i32>} : memref<2000x1xf32, #tpu.memory_space<vmem>>, vector<2000x1xf32>,
    %get3A_8 = arith.constant 0 : index
    %get3A_9 = arith.constant 0 : index
    %get3A_10 = vector.load %arg2[%get3A_8, %get3A_9] : memref<2000x128xf32, #tpu.memory_space<vmem>>, vector<2000x128xf32>
    %mul3A = vector.broadcast %rsqrt3A : vector<2000x1xf32> to vector<2000x128xf32>
    %mul3A_11 = arith.mulf %get3A_10, %mul3A : vector<2000x128xf32>
    %swap3A_12 = arith.constant 0 : index
    %swap3A_13 = arith.constant 0 : index
    %swap3A_14 = vector.load %arg4[%swap3A_12, %swap3A_13] : memref<2000x128xf32, #tpu.memory_space<vmem>>, vector<2000x128xf32>
    tpu.vector_store %arg4[%swap3A_12, %swap3A_13], %mul3A_11 {strides = array<i32>} : memref<2000x128xf32, #tpu.memory_space<vmem>>, vector<2000x128xf32>,
    return
  }
  func.func @transform_0(%arg0: i32) -> (i32, i32, i32) {
    %c0_i32 = arith.constant 0 : i32
    %c0_i32_0 = arith.constant 0 : i32
    %c0_i32_1 = arith.constant 0 : i32
    return %c0_i32, %arg0, %c0_i32_0 : i32, i32, i32
  }
  func.func @transform_1(%arg0: i32) -> (i32, i32) {
    %c0_i32 = arith.constant 0 : i32
    %c0_i32_0 = arith.constant 0 : i32
    return %arg0, %c0_i32 : i32, i32
  }
  func.func @transform_2(%arg0: i32) -> (i32, i32) {
    %c0_i32 = arith.constant 0 : i32
    %c0_i32_0 = arith.constant 0 : i32
    return %arg0, %c0_i32 : i32, i32
  }
  func.func @transform_3(%arg0: i32) -> (i32, i32) {
    %c0_i32 = arith.constant 0 : i32
    %c0_i32_0 = arith.constant 0 : i32
    return %arg0, %c0_i32 : i32, i32
  }
}

module attributes {stable_mosaic.version = 14 : i64} {
  func.func @_mid_kernel(%arg0: i32, %arg1: memref<2000x128xf32, #tpu.memory_space<vmem>>, %arg2: memref<2000x128xf32, #tpu.memory_space<vmem>>, %arg3: memref<2000x128xf32, #tpu.memory_space<vmem>>, %arg4: memref<2000x1xf32, #tpu.memory_space<vmem>>, %arg5: memref<128x256xf32, #tpu.memory_space<vmem>>, %arg6: memref<1x256xf32, #tpu.memory_space<vmem>>, %arg7: memref<256x128xf32, #tpu.memory_space<vmem>>, %arg8: memref<2000x128xf32, #tpu.memory_space<vmem>>) attributes {dimension_semantics = [#tpu.dimension_semantics<arbitrary>], iteration_bounds = array<i64: 5>, scalar_prefetch = 0 : i64, scratch_operands = 0 : i64, tpu.core_type = #tpu.core_type<tc>, window_params = [{transform_indices = @transform_0, window_bounds = array<i64: 2000, 128>}, {transform_indices = @transform_1, window_bounds = array<i64: 2000, 128>}, {transform_indices = @transform_2, window_bounds = array<i64: 2000, 128>}, {transform_indices = @transform_3, window_bounds = array<i64: 2000, 1>}, {pipeline_mode = #tpu.pipeline_mode<synchronous>, transform_indices = @transform_4, window_bounds = array<i64: 128, 256>}, {pipeline_mode = #tpu.pipeline_mode<synchronous>, transform_indices = @transform_5, window_bounds = array<i64: 1, 256>}, {pipeline_mode = #tpu.pipeline_mode<synchronous>, transform_indices = @transform_6, window_bounds = array<i64: 256, 128>}, {transform_indices = @transform_7, window_bounds = array<i64: 2000, 128>}]} {
    %get3A = arith.constant 0 : index
    %get3A_0 = arith.constant 0 : index
    %get3A_1 = vector.load %arg4[%get3A, %get3A_0] : memref<2000x1xf32, #tpu.memory_space<vmem>>, vector<2000x1xf32>
    %get3A_2 = arith.constant 0 : index
    %get3A_3 = arith.constant 0 : index
    %get3A_4 = vector.load %arg1[%get3A_2, %get3A_3] : memref<2000x128xf32, #tpu.memory_space<vmem>>, vector<2000x128xf32>
    %get3A_5 = arith.constant 0 : index
    %get3A_6 = arith.constant 0 : index
    %get3A_7 = vector.load %arg2[%get3A_5, %get3A_6] : memref<2000x128xf32, #tpu.memory_space<vmem>>, vector<2000x128xf32>
    %add3A = arith.addf %get3A_4, %get3A_7 : vector<2000x128xf32>
    %get3A_8 = arith.constant 0 : index
    %get3A_9 = arith.constant 0 : index
    %get3A_10 = vector.load %arg3[%get3A_8, %get3A_9] : memref<2000x128xf32, #tpu.memory_space<vmem>>, vector<2000x128xf32>
    %add3A_11 = arith.addf %add3A, %get3A_10 : vector<2000x128xf32>
    %mul3A = vector.broadcast %get3A_1 : vector<2000x1xf32> to vector<2000x128xf32>
    %mul3A_12 = arith.mulf %mul3A, %add3A_11 : vector<2000x128xf32>
    %get3A_13 = arith.constant 0 : index
    %get3A_14 = arith.constant 0 : index
    %get3A_15 = vector.load %arg5[%get3A_13, %get3A_14] : memref<128x256xf32, #tpu.memory_space<vmem>>, vector<128x256xf32>
    %dot_general3A = arith.constant dense<0.000000e+00> : vector<2000x256xf32>
    %dot_general3A_16 = tpu.matmul %mul3A_12, %get3A_15, %dot_general3A {dimension_numbers = #tpu.dot_dimension_numbers<[1], [0], [0], [1], [0, 0, 1, 1], [], []>, transpose_lhs_hint = false} : vector<2000x128xf32>, vector<128x256xf32>, vector<2000x256xf32> -> vector<2000x256xf32>
    %get3A_17 = arith.constant 0 : index
    %get3A_18 = arith.constant 0 : index
    %get3A_19 = vector.load %arg6[%get3A_17, %get3A_18] : memref<1x256xf32, #tpu.memory_space<vmem>>, vector<1x256xf32>
    %add3A_20 = vector.broadcast %get3A_19 : vector<1x256xf32> to vector<2000x256xf32>
    %add3A_21 = arith.addf %dot_general3A_16, %add3A_20 : vector<2000x256xf32>
    %max3A = arith.constant 0.000000e+00 : f32
    %max3A_22 = vector.broadcast %max3A : f32 to vector<2000x256xf32>
    %max3A_23 = arith.maximumf %add3A_21, %max3A_22 : vector<2000x256xf32>
    %get3A_24 = arith.constant 0 : index
    %get3A_25 = arith.constant 0 : index
    %get3A_26 = vector.load %arg7[%get3A_24, %get3A_25] : memref<256x128xf32, #tpu.memory_space<vmem>>, vector<256x128xf32>
    %dot_general3A_27 = arith.constant dense<0.000000e+00> : vector<2000x128xf32>
    %dot_general3A_28 = tpu.matmul %max3A_23, %get3A_26, %dot_general3A_27 {dimension_numbers = #tpu.dot_dimension_numbers<[1], [0], [0], [1], [0, 0, 1, 1], [], []>, transpose_lhs_hint = false} : vector<2000x256xf32>, vector<256x128xf32>, vector<2000x128xf32> -> vector<2000x128xf32>
    %mul3A_29 = vector.broadcast %get3A_1 : vector<2000x1xf32> to vector<2000x128xf32>
    %mul3A_30 = arith.mulf %dot_general3A_28, %mul3A_29 : vector<2000x128xf32>
    %swap3A = arith.constant 0 : index
    %swap3A_31 = arith.constant 0 : index
    %swap3A_32 = vector.load %arg8[%swap3A, %swap3A_31] : memref<2000x128xf32, #tpu.memory_space<vmem>>, vector<2000x128xf32>
    tpu.vector_store %arg8[%swap3A, %swap3A_31], %mul3A_30 {strides = array<i32>} : memref<2000x128xf32, #tpu.memory_space<vmem>>, vector<2000x128xf32>,
    return
  }
  func.func @transform_0(%arg0: i32) -> (i32, i32) {
    %c0_i32 = arith.constant 0 : i32
    %c0_i32_0 = arith.constant 0 : i32
    return %arg0, %c0_i32 : i32, i32
  }
  func.func @transform_1(%arg0: i32) -> (i32, i32) {
    %c0_i32 = arith.constant 0 : i32
    %c0_i32_0 = arith.constant 0 : i32
    return %arg0, %c0_i32 : i32, i32
  }
  func.func @transform_2(%arg0: i32) -> (i32, i32) {
    %c0_i32 = arith.constant 0 : i32
    %c0_i32_0 = arith.constant 0 : i32
    return %arg0, %c0_i32 : i32, i32
  }
  func.func @transform_3(%arg0: i32) -> (i32, i32) {
    %c0_i32 = arith.constant 0 : i32
    %c0_i32_0 = arith.constant 0 : i32
    return %arg0, %c0_i32 : i32, i32
  }
  func.func @transform_4(%arg0: i32) -> (i32, i32) {
    %c0_i32 = arith.constant 0 : i32
    %c0_i32_0 = arith.constant 0 : i32
    %c0_i32_1 = arith.constant 0 : i32
    return %c0_i32, %c0_i32_0 : i32, i32
  }
  func.func @transform_5(%arg0: i32) -> (i32, i32) {
    %c0_i32 = arith.constant 0 : i32
    %c0_i32_0 = arith.constant 0 : i32
    %c0_i32_1 = arith.constant 0 : i32
    return %c0_i32, %c0_i32_0 : i32, i32
  }
  func.func @transform_6(%arg0: i32) -> (i32, i32) {
    %c0_i32 = arith.constant 0 : i32
    %c0_i32_0 = arith.constant 0 : i32
    %c0_i32_1 = arith.constant 0 : i32
    return %c0_i32, %c0_i32_0 : i32, i32
  }
  func.func @transform_7(%arg0: i32) -> (i32, i32) {
    %c0_i32 = arith.constant 0 : i32
    %c0_i32_0 = arith.constant 0 : i32
    return %arg0, %c0_i32 : i32, i32
  }
}

module attributes {stable_mosaic.version = 14 : i64} {
  func.func @_fin_kernel(%arg0: i32, %arg1: memref<2000x128xf32, #tpu.memory_space<vmem>>, %arg2: memref<2000x128xf32, #tpu.memory_space<vmem>>, %arg3: memref<2000x128xf32, #tpu.memory_space<vmem>>, %arg4: memref<2000x1xf32, #tpu.memory_space<vmem>>, %arg5: memref<1x128xf32, #tpu.memory_space<vmem>>, %arg6: memref<2000x128xf32, #tpu.memory_space<vmem>>) attributes {dimension_semantics = [#tpu.dimension_semantics<arbitrary>], iteration_bounds = array<i64: 5>, scalar_prefetch = 0 : i64, scratch_operands = 0 : i64, tpu.core_type = #tpu.core_type<tc>, window_params = [{transform_indices = @transform_0, window_bounds = array<i64: 2000, 128>}, {transform_indices = @transform_1, window_bounds = array<i64: 2000, 128>}, {transform_indices = @transform_2, window_bounds = array<i64: 2000, 128>}, {transform_indices = @transform_3, window_bounds = array<i64: 2000, 1>}, {pipeline_mode = #tpu.pipeline_mode<synchronous>, transform_indices = @transform_4, window_bounds = array<i64: 1, 128>}, {transform_indices = @transform_5, window_bounds = array<i64: 2000, 128>}]} {
    %get3A = arith.constant 0 : index
    %get3A_0 = arith.constant 0 : index
    %get3A_1 = vector.load %arg4[%get3A, %get3A_0] : memref<2000x1xf32, #tpu.memory_space<vmem>>, vector<2000x1xf32>
    %get3A_2 = arith.constant 0 : index
    %get3A_3 = arith.constant 0 : index
    %get3A_4 = vector.load %arg1[%get3A_2, %get3A_3] : memref<2000x128xf32, #tpu.memory_space<vmem>>, vector<2000x128xf32>
    %get3A_5 = arith.constant 0 : index
    %get3A_6 = arith.constant 0 : index
    %get3A_7 = vector.load %arg2[%get3A_5, %get3A_6] : memref<2000x128xf32, #tpu.memory_space<vmem>>, vector<2000x128xf32>
    %add3A = arith.addf %get3A_4, %get3A_7 : vector<2000x128xf32>
    %get3A_8 = arith.constant 0 : index
    %get3A_9 = arith.constant 0 : index
    %get3A_10 = vector.load %arg3[%get3A_8, %get3A_9] : memref<2000x128xf32, #tpu.memory_space<vmem>>, vector<2000x128xf32>
    %add3A_11 = arith.addf %add3A, %get3A_10 : vector<2000x128xf32>
    %mul3A = vector.broadcast %get3A_1 : vector<2000x1xf32> to vector<2000x128xf32>
    %mul3A_12 = arith.mulf %mul3A, %add3A_11 : vector<2000x128xf32>
    %get3A_13 = arith.constant 0 : index
    %get3A_14 = arith.constant 0 : index
    %get3A_15 = vector.load %arg5[%get3A_13, %get3A_14] : memref<1x128xf32, #tpu.memory_space<vmem>>, vector<1x128xf32>
    %add3A_16 = vector.broadcast %get3A_15 : vector<1x128xf32> to vector<2000x128xf32>
    %add3A_17 = arith.addf %mul3A_12, %add3A_16 : vector<2000x128xf32>
    %swap3A = arith.constant 0 : index
    %swap3A_18 = arith.constant 0 : index
    %swap3A_19 = vector.load %arg6[%swap3A, %swap3A_18] : memref<2000x128xf32, #tpu.memory_space<vmem>>, vector<2000x128xf32>
    tpu.vector_store %arg6[%swap3A, %swap3A_18], %add3A_17 {strides = array<i32>} : memref<2000x128xf32, #tpu.memory_space<vmem>>, vector<2000x128xf32>,
    return
  }
  func.func @transform_0(%arg0: i32) -> (i32, i32) {
    %c0_i32 = arith.constant 0 : i32
    %c0_i32_0 = arith.constant 0 : i32
    return %arg0, %c0_i32 : i32, i32
  }
  func.func @transform_1(%arg0: i32) -> (i32, i32) {
    %c0_i32 = arith.constant 0 : i32
    %c0_i32_0 = arith.constant 0 : i32
    return %arg0, %c0_i32 : i32, i32
  }
  func.func @transform_2(%arg0: i32) -> (i32, i32) {
    %c0_i32 = arith.constant 0 : i32
    %c0_i32_0 = arith.constant 0 : i32
    return %arg0, %c0_i32 : i32, i32
  }
  func.func @transform_3(%arg0: i32) -> (i32, i32) {
    %c0_i32 = arith.constant 0 : i32
    %c0_i32_0 = arith.constant 0 : i32
    return %arg0, %c0_i32 : i32, i32
  }
  func.func @transform_4(%arg0: i32) -> (i32, i32) {
    %c0_i32 = arith.constant 0 : i32
    %c0_i32_0 = arith.constant 0 : i32
    %c0_i32_1 = arith.constant 0 : i32
    return %c0_i32, %c0_i32_0 : i32, i32
  }
  func.func @transform_5(%arg0: i32) -> (i32, i32) {
    %c0_i32 = arith.constant 0 : i32
    %c0_i32_0 = arith.constant 0 : i32
    return %arg0, %c0_i32 : i32, i32
  }
}

</mosaic_0001>

<sc_bundles>
// kernel: kernel.11.cloned.1.call-start
scs
__scs_entry_jumppad:
0x0: {  	(pc) =	sbr.rel $0x88, $3  }
0x1: {  	(tag) =	ssettag $0x0;
	lr =	simm.s32 $0x1  }
0x2: {  	[smem:$0x3F9B] =	sst lr;
	_ =	strace $0xD0000000  }
0x3: {  	_ = 	snop  }
0x4: {  	_ = 	snop  }
0x5: {  	_ = 	snop  }
0x6: {  	_ = 	snop  }
0x7: {  	_ = 	snop  }
__scs_overlays_trampoline_lowered:
0x8: {  	[smem:$0x3FAA] =	sst s0  }
0x9: {  	[smem:$0x3FAB] =	sst s1  }
0xa: {  	[smem:$0x3FAC] =	sst s2  }
0xb: {  	[smem:$0x3FAD] =	sst s3  }
0xc: {  	[smem:$0x3FAE] =	sst s4  }
0xd: {  	[smem:$0x3FAF] =	sst s5  }
0xe: {  	[smem:$0x3FB0] =	sst s6  }
0xf: {  	[smem:$0x3FB1] =	sst s7  }
0x10: {  	[smem:$0x3FB2] =	sst s8  }
0x11: {  	[smem:$0x3FB3] =	sst s9;
	s0 =	simm.s32 @!p0 $0x0  }
0x12: {  	s1 =	sld [smem:$0x3F99];
	s0 =	simm.s32 @p0 $0x1  }
0x13: {  	[smem:$0x3FB4] =	sst s0;
	s0 =	simm.s32 @!p1 $0x0  }
0x14: {  	s2 =	sld [smem:$0x3F98];
	s0 =	simm.s32 @p1 $0x1  }
0x15: {  	[smem:$0x3FB5] =	sst s0;
	s0 =	simm.s32 @!p2 $0x0  }
0x16: {  	s3 =	sld [smem:$0x3FDB];
	s0 =	simm.s32 @p2 $0x1  }
0x17: {  	s4 =	simm.s32 $0x1BF5;
	[smem:$0x3FB7] =	sst s0  }
0x18: {  	s0 =	sld [smem:$0x3F9A];
	_ =	swait.ge [sflag:s4], $0x0  }
0x19: {  	s7 =	sld [smem:$0x3F9B]  }
0x1a: {  	s8 =	sadd.s32 $0xFFFFE003, lr  }
0x1b: {  	s9 =	sadd.s32 $0xFFFFFEF7, lr;
	s5 =	simm.s32 $0xFFFFFFFF;
	p2 =	slt.u32 s8, $0xFFFFF086  }
0x1c: {  	p1 =	slt.u32 s9, $0xF7A;
	s5 =	simm.s32 @!p2 $0x0  }
0x1d: {  	s5 =	simm.s32 @p1 $0x1;
	p0 =	seq.s32 s7, s2  }
0x1e: {  	s7 =	smul.u32 @!p0 $0xF7A, s2;
	p2 =	seq.s32 @!p0 s5, $0x0  }
0x1f: {  	s9 =	smul.u32 $0xF7A, s1;
	s8 =	simm.s32 @!p0 $0x1BF5;
	p2 =	por !p2, p0  }
0x20: {  	[sflag:s8] =	ssyncset.s32 @!p0 $0xFFFFF086;
	s6 =	sadd.s32 @!p0 s3, s7;
	s7 =	simm.s32 @!p0 $0x108  }
0x21: {  	s3 =	sadd.s32 s3, s9;
	s6 =	sadd.s32 @!p0 $0x88, s6;
	s7 =	simm.s32 @p2 $0x1082  }
0x22: {  	[simem:s7], [sflag:s8] =	dma.local @!p0 [hbm:s6], $0xF7A  }
0x23: {  	s9 =	sor.u32 $0xD0000000, s2;
	s6 =	simm.s32 $0x108;
	_ =	swait.ge @!p0 [sflag:s8], $0x0  }
0x24: {  	s3 =	sadd.s32 $0x88, s3;
	s6 =	simm.s32 @!p1 $0x1082;
	[sflag:s4] =	ssyncset.s32 $0xFFFFF086  }
0x25: {  	[simem:s6], [sflag:s4] =	dma.local [hbm:s3], $0xF7A  }
0x26: {  	[smem:$0x3F9B] =	sst s1;
	(tag) =	ssettag s2;
	_ =	strace s9  }
0x27: {  	s1 =	sld [smem:$0x3FAB]  }
0x28: {  	s2 =	sld [smem:$0x3FAC]  }
0x29: {  	s4 =	sld [smem:$0x3FAE]  }
0x2a: {  	p0 =	seq.s32 s5, $0x0;
	s5 =	sld [smem:$0x3FAF]  }
0x2b: {  	s6 =	sld [smem:$0x3FB0]  }
0x2c: {  	s7 =	sld [smem:$0x3FB1]  }
0x2d: {  	s3 =	simm.s32 $0x108;
	s8 =	sld [smem:$0x3FB2]  }
0x2e: {  	s3 =	simm.s32 @!p0 $0x1082;
	s9 =	sld [smem:$0x3FB3]  }
0x2f: {  	lr =	sadd.s32 s0, s3;
	s0 =	sld [smem:$0x3FAA]  }
0x30: {  	s3 =	sld [smem:$0x3FAD]  }
0x31: {  	[smem:$0x3FB6] =	sst s10  }
0x32: {  	s10 =	sld [smem:$0x3FB4];
	_ =	sdelay $0x3  }
0x33: {  	p0 =	seq.s32 s10, $0x1;
	s10 =	sld [smem:$0x3FB6];
	_ =	sdelay $0x3  }
0x34: {  	[smem:$0x3FB6] =	sst s10  }
0x35: {  	s10 =	sld [smem:$0x3FB5];
	_ =	sdelay $0x3  }
0x36: {  	p1 =	seq.s32 s10, $0x1;
	s10 =	sld [smem:$0x3FB6];
	_ =	sdelay $0x3  }
0x37: {  	[smem:$0x3FB6] =	sst s10  }
0x38: {  	s10 =	sld [smem:$0x3FB7]  }
0x39: {  	_ = 	snop;
	(pc) =	sbr.ind lr, $3  }
0x3a: {  	_ = 	snop  }
0x3b: {  	_ = 	snop  }
0x3c: {  	p2 =	seq.s32 s10, $0x1;
	s10 =	sld [smem:$0x3FB6]  }
0x3d: {  	_ =	shalt  }
0x3e: {  	_ =	shalt  }
0x3f: {  	_ =	shalt  }
0x40: {  	_ =	shalt  }
0x41: {  	_ =	shalt  }
0x42: {  	_ =	shalt  }
0x43: {  	_ =	shalt  }
0x44: {  	_ =	shalt  }
0x45: {  	_ =	shalt  }
0x46: {  	_ =	shalt  }
0x47: {  	_ =	shalt  }
0x48: {  	_ =	shalt  }
0x49: {  	_ =	shalt  }
0x4a: {  	_ =	shalt  }
0x4b: {  	_ =	shalt  }
0x4c: {  	_ =	shalt  }
0x4d: {  	_ =	shalt  }
0x4e: {  	_ =	shalt  }
0x4f: {  	_ =	shalt  }
0x50: {  	_ =	shalt  }
0x51: {  	_ =	shalt  }
0x52: {  	_ =	shalt  }
0x53: {  	_ =	shalt  }
0x54: {  	_ =	shalt  }
0x55: {  	_ =	shalt  }
0x56: {  	_ =	shalt  }
0x57: {  	_ =	shalt  }
0x58: {  	_ =	shalt  }
0x59: {  	_ =	shalt  }
0x5a: {  	_ =	shalt  }
0x5b: {  	_ =	shalt  }
0x5c: {  	_ =	shalt  }
0x5d: {  	_ =	shalt  }
0x5e: {  	_ =	shalt  }
0x5f: {  	_ =	shalt  }
0x60: {  	_ =	shalt  }
0x61: {  	_ =	shalt  }
0x62: {  	_ =	shalt  }
0x63: {  	_ =	shalt  }
0x64: {  	_ =	shalt  }
0x65: {  	_ =	shalt  }
0x66: {  	_ =	shalt  }
0x67: {  	_ =	shalt  }
0x68: {  	_ =	shalt  }
0x69: {  	_ =	shalt  }
0x6a: {  	_ =	shalt  }
0x6b: {  	_ =	shalt  }
0x6c: {  	_ =	shalt  }
0x6d: {  	_ =	shalt  }
0x6e: {  	_ =	shalt  }
0x6f: {  	_ =	shalt  }
0x70: {  	_ =	shalt  }
0x71: {  	_ =	shalt  }
0x72: {  	_ =	shalt  }
0x73: {  	_ =	shalt  }
0x74: {  	_ =	shalt  }
0x75: {  	_ =	shalt  }
0x76: {  	_ =	shalt  }
0x77: {  	_ =	shalt  }
0x78: {  	_ =	shalt  }
0x79: {  	_ =	shalt  }
0x7a: {  	_ =	shalt  }
0x7b: {  	_ =	shalt  }
0x7c: {  	_ =	shalt  }
0x7d: {  	_ =	shalt  }
0x7e: {  	_ =	shalt  }
0x7f: {  	_ =	shalt  }
0x80: {  	_ =	shalt  }
0x81: {  	_ =	shalt  }
0x82: {  	_ =	shalt  }
0x83: {  	_ =	shalt  }
0x84: {  	_ =	shalt  }
0x85: {  	_ =	shalt  }
0x86: {  	_ =	shalt  }
0x87: {  	_ =	shalt  }
.Lfunc_end0:
.L_simem_size_0:
called_computation.1_lowered:
.L_overlay_start_0:
0x88: {  	s2 =	sld [smem:$0x3FD9]  }
0x89: {  	s3 =	sld [smem:$0x3FFE];
	_ =	sdelay $0x1  }
0x8a: {  	s1 =	srdreg.scid  }
0x8b: {  	s0 =	sand.u32 $0x1, s1  }
0x8c: {  	s17 =	sshll.u32 s0, $0xA;
	s2 =	sadd.s32 s3, s2  }
0x8d: {  	s2 =	sadd.s32 s2, s17  }
0x8e: {  	[smem:$0x3FC2] =	sst s2  }
0x8f: {  	_ = 	snop  }
0x90: {  	s2 =	sld [smem:$0x3FD0];
	(tm) =	ssettm $0x1  }
0x91: {  	s18 =	sld [smem:$0x3FFB];
	_ =	sdelay $0x3  }
0x92: {  	_ =	strace s18  }
0x93: {  	s3 =	sld [smem:$0x3FFC];
	_ =	sdelay $0x3  }
0x94: {  	_ =	strace s3  }
0x95: {  	s3 =	sld [smem:$0x3FFD];
	_ =	sdelay $0x3  }
0x96: {  	_ =	strace s3  }
0x97: {  	_ =	strace $0x8FFFFFFF  }
0x98: {  	s19 =	sld [smem:$0x3FDB];
	_ =	sdelay $0x1  }
0x99: {  	s4 =	simm.s32 $_scs_section_size  }
0x9a: {  	s5 =	simm.s32 $_size__tile_overlayer_lowered;
	s6 =	simm.s32 $_tile_overlayer_lowered  }
0x9b: {  	s22 =	simm.s32 $0x1BFF;
	s21 =	sshll.u32 s6, $0x1;
	s3 =	sadd.s32 s4, s19  }
0x9c: {  	s7 =	simm.s32 $0x0;
	s20 =	sshll.u32 s5, $0x1;
	s5 =	sadd.s32 s21, s3  }
0x9d: {  	[timem:s7], [sflag:s22] =	dma.local [hbm:s5], s20  }
0x9e: {  	_ =	swait.ge [sflag:s22], s20  }
0x9f: {  	s4 =	ssub.s32 $0x0, s20;
	[sflag:s22] =	ssyncset.done $0x0  }
0xa0: {  	[sflag:s22] =	ssyncadd.s32 s4;
	_ =	sdelay $0x1  }
0xa1: {  	s23 =	simm.s32 $0x1B8B  }
0xa2: {  	_ =	swait.ge [sflag:s23], $0x1  }
0xa3: {  	[sflag:s23] =	ssyncset.done $0x0  }
0xa4: {  	s25 =	simm.s32 $0x1B8E;
	s24 =	sld [smem:$0x3FFE];
	[sflag:s23] =	ssyncadd.s32 $0xFFFFFFFF  }
0xa5: {  	s26 =	simm.s32 $execute0_lowered;
	[smem:$0x3FD2] =	sst s25  }
0xa6: {  	s5 =	sshll.u32 s26, $0x1;
	_ =	strace $0x80000049;
	[dreg:$0x1] =	wrdreg $0xFFFFFFFF  }
0xa7: {  	s28 =	simm.s32 $_size_execute0_lowered;
	s3 =	sadd.s32 s3, s5;
	[dreg:$0x0] =	wrdreg $0x0  }
0xa8: {  	s5 =	sshll.u32 s28, $0x1;
	[dreg:$0x2] =	wrdreg s3  }
0xa9: {  	[dreg:$0x3] =	wrdreg s5  }
0xaa: {  	[dreg:$0x4] =	wrdreg $0xC0  }
0xab: {  	_ =	task [dreg:s7], $0x5FFFF  }
0xac: {  	[dreg:$0x1] =	wrdreg $0xFFFFFFFF  }
0xad: {  	[dreg:$0x0] =	wrdreg $0x60  }
0xae: {  	[dreg:$0x2] =	wrdreg s2  }
0xaf: {  	[dreg:$0x3] =	wrdreg s24  }
0xb0: {  	[dreg:$0x4] =	wrdreg $0x90000  }
0xb1: {  	[dreg:$0x5] =	wrdreg $0x9  }
0xb2: {  	_ =	task.clear_ibuf [dreg:s7], $0x6FFFF;
	_ =	strace $0x90000049  }
0xb3: {  	s29 =	simm.s32 $0x9;
	_ =	strace $0x8000004B  }
0xb4: {  	_ =	swait.ge [sflag:s29], $0x1  }
0xb5: {  	[sflag:s29] =	ssyncadd.s32 $0xFFFFFFFF  }
0xb6: {  	_ =	strace $0x9000004B  }
0xb7: {  	_ =	sfence  }
0xb8: {  	s30 =	sld [smem:$0x0];
	_ =	sdelay $0x2  }
0xb9: {  	s31 =	sshll.u32 s1, $0xD;
	s1 =	sshrl.u32 s1, $0x2  }
0xba: {  	s3 =	sand.u32 $0x4000, s31;
	s1 =	sadd.s32 s1, s30  }
0xbb: {  	s0 =	sor.u32 s3, s0;
	s1 =	sshll.u32 s1, $0x11  }
0xbc: {  	s0 =	sor.u32 s1, s0  }
0xbd: {  	s0 =	sadd.s32 $0x8F2B, s0  }
0xbe: {  	[sflag:s0] =	ssyncadd.remote.s32 $0x1  }
0xbf: {  	_ =	sfence.sel $0xFFFF  }
0xc0: {  	[dreg:$0x0] =	wrdreg $0xFFFFFFFF;
	(pc) =	sbr.abs _section_cstart, $3  }
0xc1: {  	[dreg:$0x1] =	wrdreg $0xFFFFFFFF  }
0xc2: {  	_ =	task.clear_ibuf [dreg:s7], $0x2FFFF;
	_ =	strace $0x9FFFFFFF  }
0xc3: {  	(tm) =	ssettm $0x7FFFFFFF  }
tec
execute0_lowered:
.L_overlay_start_1:
0x0: {  	(tag) =	ssettag $0x1  }
0x1: {  	s1 =	rddreg [dreg:$0x0]  }
0x2: {  	s0 =	srdreg.scid;
	s6 =	rddreg [dreg:$0x1]  }
0x3: {  	s3 =	rddreg [dreg:$0x2];
	s5 =	sand.u32 $0x1, s0;
	s0 =	stileid.u32  }
0x4: {  	s4 =	simm.s32 $0x0;
	s15 =	simm.s32 $0x80;
	s8 =	smul.u32 $0x2800, s0  }
0x5: {  	s16 =	simm.s32 $0x5000;
	s17 =	simm.s32 $0x1;
	s10 =	smul.u32 $0x50000, s0  }
0x6: {  	s20 =	simm.s32 $0x0;
	[smem:$0x7FF] =	sst s4;
	s12 =	smul.u32 $0x138800, s5  }
0x7: {  	s11 =	sadd.s32 $0x66600, s6;
	s18 =	sadd.s32 $0x124800, s3;
	s23 =	smul.u32 $0x13800, s0  }
0x8: {  	s2 =	sshll.u32 s5, $0x4;
	s9 =	ssub.s32 $0x2, s5;
	s25 =	smul.u32 $0x4E000, s0  }
0x9: {  	s31 =	sshll.u32 s0, $0x6;
	p0 =	seq.s32 s0, $0xF;
	s7 =	sor.u32 s0, s2  }
0xa: {  	s2 =	rddreg [dreg:$0x3];
	_ =	strace $0x8000004A;
	s22 =	sshrl.u32 s9, $0x1  }
0xb: {  	s18 =	sshrl.u32 @p0 s18, $0x3;
	s7 =	smul.u32 $0x500, s7;
	s8 =	sadd.s32 s8, s6  }
0xc: {  	s13 =	ssub.s32 s9, s22;
	s24 =	sshrl.u32 s10, $0x2;
	s26 =	sadd.s32 s23, s12  }
0xd: {  	s28 =	sshrl.u32 s25, $0x2;
	s29 =	sshrl.u32 s12, $0x3;
	s12 =	simm.s32 $0x2800  }
0xe: {  	s14 =	sadd.s32 s24, s3;
	s19 =	sadd.s32 s28, s3;
	s30 =	sadd.s32 s11, s29  }
0xf: {  	s10 =	smax.u32 s13, $0x1;
	s13 =	sor.u32 $0x1C02, s31;
	s7 =	sadd.s32 s7, s6  }
0x10: {  	s9 =	sadd.s32 $0x24900, s30;
	s14 =	sshrl.u32 s14, $0x3;
	s5 =	sadd.s32 $0xD400, s7  }
0x11: {  	s6 =	sadd.s32 $0x3400, s7;
	s7 =	sadd.s32 $0x3E600, s8;
	s8 =	sshrl.u32 s26, $0x3  }
0x12: {  	s19 =	sshrl.u32 @!p0 s19, $0x3;
	s8 =	sadd.s32 s11, s8;
	s11 =	simm.s32 $0x2  }
.LBB2_1:
0x13: {  	[tilespmem:s4], [sflag:$0x2] =	stream.linear.gather [hbm4b:s5+s4], $0x2800, $0x38;
	[tilespmem:$0x1D000] =	vst v63  }
0x14: {  	_ =	swait.ge [sflag:s11], $0x2800  }
0x15: {  	[sflag:s11] =	ssyncset.done $0x0  }
0x16: {  	[sflag:s11] =	ssyncadd.s32 $0xFFFFD800  }
0x17: {  	[tilespmem:s12], [sflag:$0x2] =	stream.linear.gather [hbm4b:s6+s4], $0x2800, $0x38;
	[tilespmem:$0x1D000] =	vst v63  }
0x18: {  	_ =	swait.ge [sflag:s11], $0x2800  }
0x19: {  	[sflag:s11] =	ssyncset.done $0x0  }
0x1a: {  	[sflag:s11] =	ssyncadd.s32 $0xFFFFD800  }
0x1b: {  	[spmem:s14], [sflag:s13] =	dma.local [hbm:s7], $0x2800  }
0x1c: {  	_ =	swait.ge [sflag:s11], $0x2800  }
0x1d: {  	[sflag:s11] =	ssyncset.done $0x0  }
0x1e: {  	[sflag:s11] =	ssyncadd.s32 $0xFFFFD800  }
0x1f: {  	s21 =	simm.s32 $0x0;
	[bflag:$0x0] =	sbarrier.arrive $0xFFFF  }
0x20: {  	[tilespmem:s16], [sflag:$0x1] =	stream.indirect.gather [hbm4b:s1+s15], $0x80, s21, s15, $0xb8;
	[tilespmem:$0x1D000] =	vst v63  }
0x21: {  	_ =	swait.ge [sflag:s17], $0x4000  }
0x22: {  	[sflag:s17] =	ssyncset.done $0x0  }
0x23: {  	s29 =	simm.s32 $0x2800;
	[sflag:s17] =	ssyncadd.s32 $0xFFFFC000  }
0x24: {  	[spmem:s3] =	stream.indirect.scatter.add.f32 [tilespmem:s16], [sflag:$0x2], $0x80, s29, s15, $0xb8;
	[tilespmem:$0x1D000] =	vst v63  }
0x25: {  	_ =	swait.ge [sflag:s11], $0x4000  }
0x26: {  	[sflag:s11] =	ssyncset.done $0x0  }
0x27: {  	s30 =	simm.s32 $0x80;
	[sflag:s11] =	ssyncadd.s32 $0xFFFFC000  }
0x28: {  	[tilespmem:s16], [sflag:$0x1] =	stream.indirect.gather [hbm4b:s1+s15], $0x80, s30, s15, $0xb8;
	[tilespmem:$0x1D000] =	vst v63  }
0x29: {  	_ =	swait.ge [sflag:s17], $0x4000  }
0x2a: {  	[sflag:s17] =	ssyncset.done $0x0  }
0x2b: {  	s31 =	simm.s32 $0x2880;
	[sflag:s17] =	ssyncadd.s32 $0xFFFFC000  }
0x2c: {  	[spmem:s3] =	stream.indirect.scatter.add.f32 [tilespmem:s16], [sflag:$0x2], $0x80, s31, s15, $0xb8;
	[tilespmem:$0x1D000] =	vst v63  }
0x2d: {  	_ =	swait.ge [sflag:s11], $0x4000  }
0x2e: {  	s22 =	simm.s32 $0x800;
	s21 =	simm.s32 $0x400;
	[sflag:s11] =	ssyncset.done $0x0  }
.LBB2_2:
0x2f: {  	s23 =	sshra.s32 s21, $0x2  }
0x30: {  	[sflag:s11] =	ssyncadd.s32 $0xFFFFC000;
	s21 =	smov.u32 s22;
	s24 =	sadd.s32 $0x400, s22  }
0x31: {  	[tilespmem:s16], [sflag:$0x1] =	stream.indirect.gather [hbm4b:s1+s15], $0x80, s23, s15, $0xb8;
	[tilespmem:$0x1D000] =	vst v63  }
0x32: {  	p1 =	sne.s32 s22, $0x9C00;
	_ =	swait.ge [sflag:s17], $0x4000  }
0x33: {  	[sflag:s17] =	ssyncset.done $0x0  }
0x34: {  	s22 =	sadd.s32 $0x2800, s23;
	[sflag:s17] =	ssyncadd.s32 $0xFFFFC000  }
0x35: {  	[spmem:s3] =	stream.indirect.scatter.add.f32 [tilespmem:s16], [sflag:$0x2], $0x80, s22, s15, $0xb8;
	[tilespmem:$0x1D000] =	vst v63  }
0x36: {  	_ =	swait.ge [sflag:s11], $0x4000  }
0x37: {  	[sflag:s11] =	ssyncset.done $0x0  }
0x38: {  	s22 =	sadd.s32 $0x80, s23;
	[sflag:s11] =	ssyncadd.s32 $0xFFFFC000  }
0x39: {  	[tilespmem:s16], [sflag:$0x1] =	stream.indirect.gather [hbm4b:s1+s15], $0x80, s22, s15, $0xb8;
	[tilespmem:$0x1D000] =	vst v63  }
0x3a: {  	_ =	swait.ge [sflag:s17], $0x4000  }
.Ltmp0:
0x3b: {  	[sflag:s17] =	ssyncset.done $0x0;
	(pc) =	sbr.rel @p1 .LBB2_2-.Ltmp0, $4  }
0x3c: {  	s22 =	sadd.s32 $0x2880, s23;
	[sflag:s17] =	ssyncadd.s32 $0xFFFFC000  }
0x3d: {  	[spmem:s3] =	stream.indirect.scatter.add.f32 [tilespmem:s16], [sflag:$0x2], $0x80, s22, s15, $0xb8;
	[tilespmem:$0x1D000] =	vst v63  }
0x3e: {  	_ =	swait.ge [sflag:s11], $0x4000  }
0x3f: {  	s22 =	smov.u32 s24;
	[sflag:s11] =	ssyncset.done $0x0  }
0x40: {  	s21 =	sshra.s32 s21, $0x2;
	[sflag:s11] =	ssyncadd.s32 $0xFFFFC000  }
0x41: {  	[tilespmem:s16], [sflag:$0x1] =	stream.indirect.gather [hbm4b:s1+s15], $0x80, s21, s15, $0xb8;
	[tilespmem:$0x1D000] =	vst v63  }
0x42: {  	_ =	swait.ge [sflag:s17], $0x4000  }
0x43: {  	[sflag:s17] =	ssyncset.done $0x0  }
0x44: {  	s22 =	sadd.s32 $0x2800, s21;
	[sflag:s17] =	ssyncadd.s32 $0xFFFFC000  }
0x45: {  	[spmem:s3] =	stream.indirect.scatter.add.f32 [tilespmem:s16], [sflag:$0x2], $0x80, s22, s15, $0xb8;
	[tilespmem:$0x1D000] =	vst v63  }
0x46: {  	_ =	swait.ge [sflag:s11], $0x4000  }
0x47: {  	[sflag:s11] =	ssyncset.done $0x0  }
0x48: {  	s31 =	sadd.s32 $0x80, s21;
	[sflag:s11] =	ssyncadd.s32 $0xFFFFC000  }
0x49: {  	[tilespmem:s16], [sflag:$0x1] =	stream.indirect.gather [hbm4b:s1+s15], $0x80, s31, s15, $0xb8;
	[tilespmem:$0x1D000] =	vst v63  }
0x4a: {  	_ =	swait.ge [sflag:s17], $0x4000  }
0x4b: {  	[sflag:s17] =	ssyncset.done $0x0  }
0x4c: {  	s21 =	sadd.s32 $0x2880, s21;
	[sflag:s17] =	ssyncadd.s32 $0xFFFFC000  }
0x4d: {  	[spmem:s3] =	stream.indirect.scatter.add.f32 [tilespmem:s16], [sflag:$0x2], $0x80, s21, s15, $0xb8;
	[tilespmem:$0x1D000] =	vst v63  }
0x4e: {  	_ =	swait.ge [sflag:s11], $0x4000  }
0x4f: {  	[sflag:s11] =	ssyncset.done $0x0  }
0x50: {  	[sflag:s11] =	ssyncadd.s32 $0xFFFFC000  }
0x51: {  	s21 =	simm.s32 @p0 $0x2;
	[bflag:$0x0] =	sbarrier.arrive $0xFFFF  }
0x52: {  	[hbm:s9], [sflag:s13] =	dma.local @p0 [spmem:s18], $0x2800  }
0x53: {  	s20 =	sadd.s32 $0x1, s20;
	_ =	swait.ge @p0 [sflag:s21], $0x2800  }
0x54: {  	p1 =	sne.s32 s20, s10;
	[sflag:s21] =	ssyncset.done @p0 $0x0  }
.Ltmp1:
0x55: {  	[sflag:s21] =	ssyncadd.s32 @p0 $0xFFFFD800;
	s21 =	simm.s32 @!p0 $0x2;
	(pc) =	sbr.rel @p1 .LBB2_1-.Ltmp1, $4  }
0x56: {  	[hbm:s8], [sflag:s13] =	dma.local @!p0 [spmem:s19], $0x2700  }
0x57: {  	_ =	swait.ge @!p0 [sflag:s21], $0x2700  }
0x58: {  	[sflag:s21] =	ssyncset.done @!p0 $0x0  }
0x59: {  	[sflag:s21] =	ssyncadd.s32 @!p0 $0xFFFFD900  }
0x5a: {  	_ =	sfence.sel $0x180000  }
0x5b: {  	[bflag:$0x0] =	sbarrier.arrive $0xFFFF  }
0x5c: {  	p0 =	sne.s32 s0, $0x0;
	_ =	strace $0x9000004A  }
0x5d: {  	s0 =	sadd.s32 @!p0 $0x100000, s2;
	[bflag:$0x2] =	sbarrier.arrive $0xFFFF  }
0x5e: {  	[sflag:s0] =	ssyncadd.tile.s32 @!p0 $0x1;
	_ =	shalt  }
.Lfunc_end2:
_tile_overlayer_lowered:
.L_overlay_start_2:
0x5f: {  	(tag) =	ssettag $0x2  }
0x60: {  	s0 =	rddreg [dreg:$0x0];
	s2 =	stileid.u32  }
0x61: {  	s1 =	rddreg [dreg:$0x1];
	p0 =	sne.s32 s2, $0x0  }
0x62: {  	s3 =	rddreg [dreg:$0x2];
	[bflag:$0x3] =	sbarrier.arrive $0xFFFF;
	s2 =	simm.s32 @!p0 $0x1C02  }
0x63: {  	[timem:s3], [sflag:s2] =	dma.local @!p0 [hbm:s0], s1  }
0x64: {  	s0 =	simm.s32 @!p0 $0x2  }
0x65: {  	_ =	swait.ge @!p0 [sflag:s0], s1  }
0x66: {  	s1 =	ssub.s32 @!p0 $0x0, s1;
	[sflag:s0] =	ssyncset.done @!p0 $0x0  }
0x67: {  	[sflag:s0] =	ssyncadd.s32 @!p0 s1  }
0x68: {  	[bflag:$0x3] =	sbarrier.arrive $0xFFFF  }
0x69: {  	_ =	shalt  }

// kernel: kernel.14.cloned.1.call-start
scs
__scs_entry_jumppad:
0x0: {  	(pc) =	sbr.rel $0x88, $3  }
0x1: {  	(tag) =	ssettag $0x0;
	lr =	simm.s32 $0x1  }
0x2: {  	[smem:$0x3F9B] =	sst lr;
	_ =	strace $0xD0000000  }
0x3: {  	_ = 	snop  }
0x4: {  	_ = 	snop  }
0x5: {  	_ = 	snop  }
0x6: {  	_ = 	snop  }
0x7: {  	_ = 	snop  }
__scs_overlays_trampoline_lowered:
0x8: {  	[smem:$0x3FAA] =	sst s0  }
0x9: {  	[smem:$0x3FAB] =	sst s1  }
0xa: {  	[smem:$0x3FAC] =	sst s2  }
0xb: {  	[smem:$0x3FAD] =	sst s3  }
0xc: {  	[smem:$0x3FAE] =	sst s4  }
0xd: {  	[smem:$0x3FAF] =	sst s5  }
0xe: {  	[smem:$0x3FB0] =	sst s6  }
0xf: {  	[smem:$0x3FB1] =	sst s7  }
0x10: {  	[smem:$0x3FB2] =	sst s8  }
0x11: {  	[smem:$0x3FB3] =	sst s9;
	s0 =	simm.s32 @!p0 $0x0  }
0x12: {  	s1 =	sld [smem:$0x3F99];
	s0 =	simm.s32 @p0 $0x1  }
0x13: {  	[smem:$0x3FB4] =	sst s0;
	s0 =	simm.s32 @!p1 $0x0  }
0x14: {  	s2 =	sld [smem:$0x3F98];
	s0 =	simm.s32 @p1 $0x1  }
0x15: {  	[smem:$0x3FB5] =	sst s0;
	s0 =	simm.s32 @!p2 $0x0  }
0x16: {  	s3 =	sld [smem:$0x3FDB];
	s0 =	simm.s32 @p2 $0x1  }
0x17: {  	s4 =	simm.s32 $0x1BF5;
	[smem:$0x3FB7] =	sst s0  }
0x18: {  	s0 =	sld [smem:$0x3F9A];
	_ =	swait.ge [sflag:s4], $0x0  }
0x19: {  	s7 =	sld [smem:$0x3F9B]  }
0x1a: {  	s8 =	sadd.s32 $0xFFFFE003, lr  }
0x1b: {  	s9 =	sadd.s32 $0xFFFFFEF7, lr;
	s5 =	simm.s32 $0xFFFFFFFF;
	p2 =	slt.u32 s8, $0xFFFFF086  }
0x1c: {  	p1 =	slt.u32 s9, $0xF7A;
	s5 =	simm.s32 @!p2 $0x0  }
0x1d: {  	s5 =	simm.s32 @p1 $0x1;
	p0 =	seq.s32 s7, s2  }
0x1e: {  	s7 =	smul.u32 @!p0 $0xF7A, s2;
	p2 =	seq.s32 @!p0 s5, $0x0  }
0x1f: {  	s9 =	smul.u32 $0xF7A, s1;
	s8 =	simm.s32 @!p0 $0x1BF5;
	p2 =	por !p2, p0  }
0x20: {  	[sflag:s8] =	ssyncset.s32 @!p0 $0xFFFFF086;
	s6 =	sadd.s32 @!p0 s3, s7;
	s7 =	simm.s32 @!p0 $0x108  }
0x21: {  	s3 =	sadd.s32 s3, s9;
	s6 =	sadd.s32 @!p0 $0x88, s6;
	s7 =	simm.s32 @p2 $0x1082  }
0x22: {  	[simem:s7], [sflag:s8] =	dma.local @!p0 [hbm:s6], $0xF7A  }
0x23: {  	s9 =	sor.u32 $0xD0000000, s2;
	s6 =	simm.s32 $0x108;
	_ =	swait.ge @!p0 [sflag:s8], $0x0  }
0x24: {  	s3 =	sadd.s32 $0x88, s3;
	s6 =	simm.s32 @!p1 $0x1082;
	[sflag:s4] =	ssyncset.s32 $0xFFFFF086  }
0x25: {  	[simem:s6], [sflag:s4] =	dma.local [hbm:s3], $0xF7A  }
0x26: {  	[smem:$0x3F9B] =	sst s1;
	(tag) =	ssettag s2;
	_ =	strace s9  }
0x27: {  	s1 =	sld [smem:$0x3FAB]  }
0x28: {  	s2 =	sld [smem:$0x3FAC]  }
0x29: {  	s4 =	sld [smem:$0x3FAE]  }
0x2a: {  	p0 =	seq.s32 s5, $0x0;
	s5 =	sld [smem:$0x3FAF]  }
0x2b: {  	s6 =	sld [smem:$0x3FB0]  }
0x2c: {  	s7 =	sld [smem:$0x3FB1]  }
0x2d: {  	s3 =	simm.s32 $0x108;
	s8 =	sld [smem:$0x3FB2]  }
0x2e: {  	s3 =	simm.s32 @!p0 $0x1082;
	s9 =	sld [smem:$0x3FB3]  }
0x2f: {  	lr =	sadd.s32 s0, s3;
	s0 =	sld [smem:$0x3FAA]  }
0x30: {  	s3 =	sld [smem:$0x3FAD]  }
0x31: {  	[smem:$0x3FB6] =	sst s10  }
0x32: {  	s10 =	sld [smem:$0x3FB4];
	_ =	sdelay $0x3  }
0x33: {  	p0 =	seq.s32 s10, $0x1;
	s10 =	sld [smem:$0x3FB6];
	_ =	sdelay $0x3  }
0x34: {  	[smem:$0x3FB6] =	sst s10  }
0x35: {  	s10 =	sld [smem:$0x3FB5];
	_ =	sdelay $0x3  }
0x36: {  	p1 =	seq.s32 s10, $0x1;
	s10 =	sld [smem:$0x3FB6];
	_ =	sdelay $0x3  }
0x37: {  	[smem:$0x3FB6] =	sst s10  }
0x38: {  	s10 =	sld [smem:$0x3FB7]  }
0x39: {  	_ = 	snop;
	(pc) =	sbr.ind lr, $3  }
0x3a: {  	_ = 	snop  }
0x3b: {  	_ = 	snop  }
0x3c: {  	p2 =	seq.s32 s10, $0x1;
	s10 =	sld [smem:$0x3FB6]  }
0x3d: {  	_ =	shalt  }
0x3e: {  	_ =	shalt  }
0x3f: {  	_ =	shalt  }
0x40: {  	_ =	shalt  }
0x41: {  	_ =	shalt  }
0x42: {  	_ =	shalt  }
0x43: {  	_ =	shalt  }
0x44: {  	_ =	shalt  }
0x45: {  	_ =	shalt  }
0x46: {  	_ =	shalt  }
0x47: {  	_ =	shalt  }
0x48: {  	_ =	shalt  }
0x49: {  	_ =	shalt  }
0x4a: {  	_ =	shalt  }
0x4b: {  	_ =	shalt  }
0x4c: {  	_ =	shalt  }
0x4d: {  	_ =	shalt  }
0x4e: {  	_ =	shalt  }
0x4f: {  	_ =	shalt  }
0x50: {  	_ =	shalt  }
0x51: {  	_ =	shalt  }
0x52: {  	_ =	shalt  }
0x53: {  	_ =	shalt  }
0x54: {  	_ =	shalt  }
0x55: {  	_ =	shalt  }
0x56: {  	_ =	shalt  }
0x57: {  	_ =	shalt  }
0x58: {  	_ =	shalt  }
0x59: {  	_ =	shalt  }
0x5a: {  	_ =	shalt  }
0x5b: {  	_ =	shalt  }
0x5c: {  	_ =	shalt  }
0x5d: {  	_ =	shalt  }
0x5e: {  	_ =	shalt  }
0x5f: {  	_ =	shalt  }
0x60: {  	_ =	shalt  }
0x61: {  	_ =	shalt  }
0x62: {  	_ =	shalt  }
0x63: {  	_ =	shalt  }
0x64: {  	_ =	shalt  }
0x65: {  	_ =	shalt  }
0x66: {  	_ =	shalt  }
0x67: {  	_ =	shalt  }
0x68: {  	_ =	shalt  }
0x69: {  	_ =	shalt  }
0x6a: {  	_ =	shalt  }
0x6b: {  	_ =	shalt  }
0x6c: {  	_ =	shalt  }
0x6d: {  	_ =	shalt  }
0x6e: {  	_ =	shalt  }
0x6f: {  	_ =	shalt  }
0x70: {  	_ =	shalt  }
0x71: {  	_ =	shalt  }
0x72: {  	_ =	shalt  }
0x73: {  	_ =	shalt  }
0x74: {  	_ =	shalt  }
0x75: {  	_ =	shalt  }
0x76: {  	_ =	shalt  }
0x77: {  	_ =	shalt  }
0x78: {  	_ =	shalt  }
0x79: {  	_ =	shalt  }
0x7a: {  	_ =	shalt  }
0x7b: {  	_ =	shalt  }
0x7c: {  	_ =	shalt  }
0x7d: {  	_ =	shalt  }
0x7e: {  	_ =	shalt  }
0x7f: {  	_ =	shalt  }
0x80: {  	_ =	shalt  }
0x81: {  	_ =	shalt  }
0x82: {  	_ =	shalt  }
0x83: {  	_ =	shalt  }
0x84: {  	_ =	shalt  }
0x85: {  	_ =	shalt  }
0x86: {  	_ =	shalt  }
0x87: {  	_ =	shalt  }
.Lfunc_end0:
.L_simem_size_0:
called_computation.2_lowered:
.L_overlay_start_0:
0x88: {  	s2 =	sld [smem:$0x3FD9]  }
0x89: {  	s3 =	sld [smem:$0x3FFE];
	_ =	sdelay $0x1  }
0x8a: {  	s1 =	srdreg.scid  }
0x8b: {  	s0 =	sand.u32 $0x1, s1  }
0x8c: {  	s17 =	sshll.u32 s0, $0xA;
	s2 =	sadd.s32 s3, s2  }
0x8d: {  	s2 =	sadd.s32 s2, s17  }
0x8e: {  	[smem:$0x3FC2] =	sst s2  }
0x8f: {  	_ = 	snop  }
0x90: {  	s2 =	sld [smem:$0x3FD0];
	(tm) =	ssettm $0x1  }
0x91: {  	s18 =	sld [smem:$0x3FFB];
	_ =	sdelay $0x3  }
0x92: {  	_ =	strace s18  }
0x93: {  	s3 =	sld [smem:$0x3FFC];
	_ =	sdelay $0x3  }
0x94: {  	_ =	strace s3  }
0x95: {  	s3 =	sld [smem:$0x3FFD];
	_ =	sdelay $0x3  }
0x96: {  	_ =	strace s3  }
0x97: {  	_ =	strace $0x8FFFFFFF  }
0x98: {  	s19 =	sld [smem:$0x3FDB];
	_ =	sdelay $0x1  }
0x99: {  	s4 =	simm.s32 $_scs_section_size  }
0x9a: {  	s5 =	simm.s32 $_size__tile_overlayer_lowered;
	s6 =	simm.s32 $_tile_overlayer_lowered  }
0x9b: {  	s22 =	simm.s32 $0x1BFF;
	s21 =	sshll.u32 s6, $0x1;
	s3 =	sadd.s32 s4, s19  }
0x9c: {  	s7 =	simm.s32 $0x0;
	s20 =	sshll.u32 s5, $0x1;
	s5 =	sadd.s32 s21, s3  }
0x9d: {  	[timem:s7], [sflag:s22] =	dma.local [hbm:s5], s20  }
0x9e: {  	_ =	swait.ge [sflag:s22], s20  }
0x9f: {  	s4 =	ssub.s32 $0x0, s20;
	[sflag:s22] =	ssyncset.done $0x0  }
0xa0: {  	[sflag:s22] =	ssyncadd.s32 s4;
	_ =	sdelay $0x1  }
0xa1: {  	s23 =	simm.s32 $0x1B8B  }
0xa2: {  	_ =	swait.ge [sflag:s23], $0x1  }
0xa3: {  	[sflag:s23] =	ssyncset.done $0x0  }
0xa4: {  	s25 =	simm.s32 $0x1B8E;
	s24 =	sld [smem:$0x3FFE];
	[sflag:s23] =	ssyncadd.s32 $0xFFFFFFFF  }
0xa5: {  	s26 =	simm.s32 $execute0_lowered;
	[smem:$0x3FD2] =	sst s25  }
0xa6: {  	s5 =	sshll.u32 s26, $0x1;
	_ =	strace $0x8000004C;
	[dreg:$0x1] =	wrdreg $0xFFFFFFFF  }
0xa7: {  	s28 =	simm.s32 $_size_execute0_lowered;
	s3 =	sadd.s32 s3, s5;
	[dreg:$0x0] =	wrdreg $0x0  }
0xa8: {  	s5 =	sshll.u32 s28, $0x1;
	[dreg:$0x2] =	wrdreg s3  }
0xa9: {  	[dreg:$0x3] =	wrdreg s5  }
0xaa: {  	[dreg:$0x4] =	wrdreg $0xC0  }
0xab: {  	_ =	task [dreg:s7], $0x5FFFF  }
0xac: {  	[dreg:$0x1] =	wrdreg $0xFFFFFFFF  }
0xad: {  	[dreg:$0x0] =	wrdreg $0x60  }
0xae: {  	[dreg:$0x2] =	wrdreg s2  }
0xaf: {  	[dreg:$0x3] =	wrdreg s24  }
0xb0: {  	[dreg:$0x4] =	wrdreg $0x90000  }
0xb1: {  	[dreg:$0x5] =	wrdreg $0x9  }
0xb2: {  	_ =	task.clear_ibuf [dreg:s7], $0x6FFFF;
	_ =	strace $0x9000004C  }
0xb3: {  	s29 =	simm.s32 $0x9;
	_ =	strace $0x8000004E  }
0xb4: {  	_ =	swait.ge [sflag:s29], $0x1  }
0xb5: {  	[sflag:s29] =	ssyncadd.s32 $0xFFFFFFFF  }
0xb6: {  	_ =	strace $0x9000004E  }
0xb7: {  	_ =	sfence  }
0xb8: {  	s30 =	sld [smem:$0x0];
	_ =	sdelay $0x2  }
0xb9: {  	s31 =	sshll.u32 s1, $0xD;
	s1 =	sshrl.u32 s1, $0x2  }
0xba: {  	s3 =	sand.u32 $0x4000, s31;
	s1 =	sadd.s32 s1, s30  }
0xbb: {  	s0 =	sor.u32 s3, s0;
	s1 =	sshll.u32 s1, $0x11  }
0xbc: {  	s0 =	sor.u32 s1, s0  }
0xbd: {  	s0 =	sadd.s32 $0x8F2B, s0  }
0xbe: {  	[sflag:s0] =	ssyncadd.remote.s32 $0x1  }
0xbf: {  	_ =	sfence.sel $0xFFFF  }
0xc0: {  	[dreg:$0x0] =	wrdreg $0xFFFFFFFF;
	(pc) =	sbr.abs _section_cstart, $3  }
0xc1: {  	[dreg:$0x1] =	wrdreg $0xFFFFFFFF  }
0xc2: {  	_ =	task.clear_ibuf [dreg:s7], $0x2FFFF;
	_ =	strace $0x9FFFFFFF  }
0xc3: {  	(tm) =	ssettm $0x7FFFFFFF  }
tec
execute0_lowered:
.L_overlay_start_1:
0x0: {  	(tag) =	ssettag $0x1  }
0x1: {  	s1 =	rddreg [dreg:$0x0]  }
0x2: {  	s0 =	srdreg.scid;
	s6 =	rddreg [dreg:$0x1]  }
0x3: {  	s3 =	rddreg [dreg:$0x2];
	s5 =	sand.u32 $0x1, s0;
	s0 =	stileid.u32  }
0x4: {  	s4 =	simm.s32 $0x0;
	s15 =	simm.s32 $0x80;
	s8 =	smul.u32 $0x2800, s0  }
0x5: {  	s16 =	simm.s32 $0x5000;
	s17 =	simm.s32 $0x1;
	s10 =	smul.u32 $0x50000, s0  }
0x6: {  	s20 =	simm.s32 $0x0;
	[smem:$0x7FF] =	sst s4;
	s12 =	smul.u32 $0x138800, s5  }
0x7: {  	s11 =	sadd.s32 $0x66600, s6;
	s18 =	sadd.s32 $0x124800, s3;
	s23 =	smul.u32 $0x13800, s0  }
0x8: {  	s2 =	sshll.u32 s5, $0x4;
	s9 =	ssub.s32 $0x2, s5;
	s25 =	smul.u32 $0x4E000, s0  }
0x9: {  	s31 =	sshll.u32 s0, $0x6;
	p0 =	seq.s32 s0, $0xF;
	s7 =	sor.u32 s0, s2  }
0xa: {  	s2 =	rddreg [dreg:$0x3];
	_ =	strace $0x8000004D;
	s22 =	sshrl.u32 s9, $0x1  }
0xb: {  	s18 =	sshrl.u32 @p0 s18, $0x3;
	s7 =	smul.u32 $0x500, s7;
	s8 =	sadd.s32 s8, s6  }
0xc: {  	s13 =	ssub.s32 s9, s22;
	s24 =	sshrl.u32 s10, $0x2;
	s26 =	sadd.s32 s23, s12  }
0xd: {  	s28 =	sshrl.u32 s25, $0x2;
	s29 =	sshrl.u32 s12, $0x3;
	s12 =	simm.s32 $0x2800  }
0xe: {  	s14 =	sadd.s32 s24, s3;
	s19 =	sadd.s32 s28, s3;
	s30 =	sadd.s32 s11, s29  }
0xf: {  	s10 =	smax.u32 s13, $0x1;
	s13 =	sor.u32 $0x1C02, s31;
	s7 =	sadd.s32 s7, s6  }
0x10: {  	s9 =	sadd.s32 $0x24900, s30;
	s14 =	sshrl.u32 s14, $0x3;
	s5 =	sadd.s32 $0xD400, s7  }
0x11: {  	s6 =	sadd.s32 $0x3400, s7;
	s7 =	sadd.s32 $0x3E600, s8;
	s8 =	sshrl.u32 s26, $0x3  }
0x12: {  	s19 =	sshrl.u32 @!p0 s19, $0x3;
	s8 =	sadd.s32 s11, s8;
	s11 =	simm.s32 $0x2  }
.LBB2_1:
0x13: {  	[tilespmem:s4], [sflag:$0x2] =	stream.linear.gather [hbm4b:s5+s4], $0x2800, $0x38;
	[tilespmem:$0x1D000] =	vst v63  }
0x14: {  	_ =	swait.ge [sflag:s11], $0x2800  }
0x15: {  	[sflag:s11] =	ssyncset.done $0x0  }
0x16: {  	[sflag:s11] =	ssyncadd.s32 $0xFFFFD800  }
0x17: {  	[tilespmem:s12], [sflag:$0x2] =	stream.linear.gather [hbm4b:s6+s4], $0x2800, $0x38;
	[tilespmem:$0x1D000] =	vst v63  }
0x18: {  	_ =	swait.ge [sflag:s11], $0x2800  }
0x19: {  	[sflag:s11] =	ssyncset.done $0x0  }
0x1a: {  	[sflag:s11] =	ssyncadd.s32 $0xFFFFD800  }
0x1b: {  	[spmem:s14], [sflag:s13] =	dma.local [hbm:s7], $0x2800  }
0x1c: {  	_ =	swait.ge [sflag:s11], $0x2800  }
0x1d: {  	[sflag:s11] =	ssyncset.done $0x0  }
0x1e: {  	[sflag:s11] =	ssyncadd.s32 $0xFFFFD800  }
0x1f: {  	s21 =	simm.s32 $0x0;
	[bflag:$0x0] =	sbarrier.arrive $0xFFFF  }
0x20: {  	[tilespmem:s16], [sflag:$0x1] =	stream.indirect.gather [hbm4b:s1+s15], $0x80, s21, s15, $0xb8;
	[tilespmem:$0x1D000] =	vst v63  }
0x21: {  	_ =	swait.ge [sflag:s17], $0x4000  }
0x22: {  	[sflag:s17] =	ssyncset.done $0x0  }
0x23: {  	s29 =	simm.s32 $0x2800;
	[sflag:s17] =	ssyncadd.s32 $0xFFFFC000  }
0x24: {  	[spmem:s3] =	stream.indirect.scatter.add.f32 [tilespmem:s16], [sflag:$0x2], $0x80, s29, s15, $0xb8;
	[tilespmem:$0x1D000] =	vst v63  }
0x25: {  	_ =	swait.ge [sflag:s11], $0x4000  }
0x26: {  	[sflag:s11] =	ssyncset.done $0x0  }
0x27: {  	s30 =	simm.s32 $0x80;
	[sflag:s11] =	ssyncadd.s32 $0xFFFFC000  }
0x28: {  	[tilespmem:s16], [sflag:$0x1] =	stream.indirect.gather [hbm4b:s1+s15], $0x80, s30, s15, $0xb8;
	[tilespmem:$0x1D000] =	vst v63  }
0x29: {  	_ =	swait.ge [sflag:s17], $0x4000  }
0x2a: {  	[sflag:s17] =	ssyncset.done $0x0  }
0x2b: {  	s31 =	simm.s32 $0x2880;
	[sflag:s17] =	ssyncadd.s32 $0xFFFFC000  }
0x2c: {  	[spmem:s3] =	stream.indirect.scatter.add.f32 [tilespmem:s16], [sflag:$0x2], $0x80, s31, s15, $0xb8;
	[tilespmem:$0x1D000] =	vst v63  }
0x2d: {  	_ =	swait.ge [sflag:s11], $0x4000  }
0x2e: {  	s22 =	simm.s32 $0x800;
	s21 =	simm.s32 $0x400;
	[sflag:s11] =	ssyncset.done $0x0  }
.LBB2_2:
0x2f: {  	s23 =	sshra.s32 s21, $0x2  }
0x30: {  	[sflag:s11] =	ssyncadd.s32 $0xFFFFC000;
	s21 =	smov.u32 s22;
	s24 =	sadd.s32 $0x400, s22  }
0x31: {  	[tilespmem:s16], [sflag:$0x1] =	stream.indirect.gather [hbm4b:s1+s15], $0x80, s23, s15, $0xb8;
	[tilespmem:$0x1D000] =	vst v63  }
0x32: {  	p1 =	sne.s32 s22, $0x9C00;
	_ =	swait.ge [sflag:s17], $0x4000  }
0x33: {  	[sflag:s17] =	ssyncset.done $0x0  }
0x34: {  	s22 =	sadd.s32 $0x2800, s23;
	[sflag:s17] =	ssyncadd.s32 $0xFFFFC000  }
0x35: {  	[spmem:s3] =	stream.indirect.scatter.add.f32 [tilespmem:s16], [sflag:$0x2], $0x80, s22, s15, $0xb8;
	[tilespmem:$0x1D000] =	vst v63  }
0x36: {  	_ =	swait.ge [sflag:s11], $0x4000  }
0x37: {  	[sflag:s11] =	ssyncset.done $0x0  }
0x38: {  	s22 =	sadd.s32 $0x80, s23;
	[sflag:s11] =	ssyncadd.s32 $0xFFFFC000  }
0x39: {  	[tilespmem:s16], [sflag:$0x1] =	stream.indirect.gather [hbm4b:s1+s15], $0x80, s22, s15, $0xb8;
	[tilespmem:$0x1D000] =	vst v63  }
0x3a: {  	_ =	swait.ge [sflag:s17], $0x4000  }
.Ltmp0:
0x3b: {  	[sflag:s17] =	ssyncset.done $0x0;
	(pc) =	sbr.rel @p1 .LBB2_2-.Ltmp0, $4  }
0x3c: {  	s22 =	sadd.s32 $0x2880, s23;
	[sflag:s17] =	ssyncadd.s32 $0xFFFFC000  }
0x3d: {  	[spmem:s3] =	stream.indirect.scatter.add.f32 [tilespmem:s16], [sflag:$0x2], $0x80, s22, s15, $0xb8;
	[tilespmem:$0x1D000] =	vst v63  }
0x3e: {  	_ =	swait.ge [sflag:s11], $0x4000  }
0x3f: {  	s22 =	smov.u32 s24;
	[sflag:s11] =	ssyncset.done $0x0  }
0x40: {  	s21 =	sshra.s32 s21, $0x2;
	[sflag:s11] =	ssyncadd.s32 $0xFFFFC000  }
0x41: {  	[tilespmem:s16], [sflag:$0x1] =	stream.indirect.gather [hbm4b:s1+s15], $0x80, s21, s15, $0xb8;
	[tilespmem:$0x1D000] =	vst v63  }
0x42: {  	_ =	swait.ge [sflag:s17], $0x4000  }
0x43: {  	[sflag:s17] =	ssyncset.done $0x0  }
0x44: {  	s22 =	sadd.s32 $0x2800, s21;
	[sflag:s17] =	ssyncadd.s32 $0xFFFFC000  }
0x45: {  	[spmem:s3] =	stream.indirect.scatter.add.f32 [tilespmem:s16], [sflag:$0x2], $0x80, s22, s15, $0xb8;
	[tilespmem:$0x1D000] =	vst v63  }
0x46: {  	_ =	swait.ge [sflag:s11], $0x4000  }
0x47: {  	[sflag:s11] =	ssyncset.done $0x0  }
0x48: {  	s31 =	sadd.s32 $0x80, s21;
	[sflag:s11] =	ssyncadd.s32 $0xFFFFC000  }
0x49: {  	[tilespmem:s16], [sflag:$0x1] =	stream.indirect.gather [hbm4b:s1+s15], $0x80, s31, s15, $0xb8;
	[tilespmem:$0x1D000] =	vst v63  }
0x4a: {  	_ =	swait.ge [sflag:s17], $0x4000  }
0x4b: {  	[sflag:s17] =	ssyncset.done $0x0  }
0x4c: {  	s21 =	sadd.s32 $0x2880, s21;
	[sflag:s17] =	ssyncadd.s32 $0xFFFFC000  }
0x4d: {  	[spmem:s3] =	stream.indirect.scatter.add.f32 [tilespmem:s16], [sflag:$0x2], $0x80, s21, s15, $0xb8;
	[tilespmem:$0x1D000] =	vst v63  }
0x4e: {  	_ =	swait.ge [sflag:s11], $0x4000  }
0x4f: {  	[sflag:s11] =	ssyncset.done $0x0  }
0x50: {  	[sflag:s11] =	ssyncadd.s32 $0xFFFFC000  }
0x51: {  	s21 =	simm.s32 @p0 $0x2;
	[bflag:$0x0] =	sbarrier.arrive $0xFFFF  }
0x52: {  	[hbm:s9], [sflag:s13] =	dma.local @p0 [spmem:s18], $0x2800  }
0x53: {  	s20 =	sadd.s32 $0x1, s20;
	_ =	swait.ge @p0 [sflag:s21], $0x2800  }
0x54: {  	p1 =	sne.s32 s20, s10;
	[sflag:s21] =	ssyncset.done @p0 $0x0  }
.Ltmp1:
0x55: {  	[sflag:s21] =	ssyncadd.s32 @p0 $0xFFFFD800;
	s21 =	simm.s32 @!p0 $0x2;
	(pc) =	sbr.rel @p1 .LBB2_1-.Ltmp1, $4  }
0x56: {  	[hbm:s8], [sflag:s13] =	dma.local @!p0 [spmem:s19], $0x2700  }
0x57: {  	_ =	swait.ge @!p0 [sflag:s21], $0x2700  }
0x58: {  	[sflag:s21] =	ssyncset.done @!p0 $0x0  }
0x59: {  	[sflag:s21] =	ssyncadd.s32 @!p0 $0xFFFFD900  }
0x5a: {  	_ =	sfence.sel $0x180000  }
0x5b: {  	[bflag:$0x0] =	sbarrier.arrive $0xFFFF  }
0x5c: {  	p0 =	sne.s32 s0, $0x0;
	_ =	strace $0x9000004D  }
0x5d: {  	s0 =	sadd.s32 @!p0 $0x100000, s2;
	[bflag:$0x2] =	sbarrier.arrive $0xFFFF  }
0x5e: {  	[sflag:s0] =	ssyncadd.tile.s32 @!p0 $0x1;
	_ =	shalt  }
.Lfunc_end2:
_tile_overlayer_lowered:
.L_overlay_start_2:
0x5f: {  	(tag) =	ssettag $0x2  }
0x60: {  	s0 =	rddreg [dreg:$0x0];
	s2 =	stileid.u32  }
0x61: {  	s1 =	rddreg [dreg:$0x1];
	p0 =	sne.s32 s2, $0x0  }
0x62: {  	s3 =	rddreg [dreg:$0x2];
	[bflag:$0x3] =	sbarrier.arrive $0xFFFF;
	s2 =	simm.s32 @!p0 $0x1C02  }
0x63: {  	[timem:s3], [sflag:s2] =	dma.local @!p0 [hbm:s0], s1  }
0x64: {  	s0 =	simm.s32 @!p0 $0x2  }
0x65: {  	_ =	swait.ge @!p0 [sflag:s0], s1  }
0x66: {  	s1 =	ssub.s32 @!p0 $0x0, s1;
	[sflag:s0] =	ssyncset.done @!p0 $0x0  }
0x67: {  	[sflag:s0] =	ssyncadd.s32 @!p0 s1  }
0x68: {  	[bflag:$0x3] =	sbarrier.arrive $0xFFFF  }
0x69: {  	_ =	shalt  }

// kernel: kernel.8.cloned.1.call-start
scs
__scs_entry_jumppad:
0x0: {  	(pc) =	sbr.rel $0x88, $3  }
0x1: {  	(tag) =	ssettag $0x0;
	lr =	simm.s32 $0x1  }
0x2: {  	[smem:$0x3F9B] =	sst lr;
	_ =	strace $0xD0000000  }
0x3: {  	_ = 	snop  }
0x4: {  	_ = 	snop  }
0x5: {  	_ = 	snop  }
0x6: {  	_ = 	snop  }
0x7: {  	_ = 	snop  }
__scs_overlays_trampoline_lowered:
0x8: {  	[smem:$0x3FAA] =	sst s0  }
0x9: {  	[smem:$0x3FAB] =	sst s1  }
0xa: {  	[smem:$0x3FAC] =	sst s2  }
0xb: {  	[smem:$0x3FAD] =	sst s3  }
0xc: {  	[smem:$0x3FAE] =	sst s4  }
0xd: {  	[smem:$0x3FAF] =	sst s5  }
0xe: {  	[smem:$0x3FB0] =	sst s6  }
0xf: {  	[smem:$0x3FB1] =	sst s7  }
0x10: {  	[smem:$0x3FB2] =	sst s8  }
0x11: {  	[smem:$0x3FB3] =	sst s9;
	s0 =	simm.s32 @!p0 $0x0  }
0x12: {  	s1 =	sld [smem:$0x3F99];
	s0 =	simm.s32 @p0 $0x1  }
0x13: {  	[smem:$0x3FB4] =	sst s0;
	s0 =	simm.s32 @!p1 $0x0  }
0x14: {  	s2 =	sld [smem:$0x3F98];
	s0 =	simm.s32 @p1 $0x1  }
0x15: {  	[smem:$0x3FB5] =	sst s0;
	s0 =	simm.s32 @!p2 $0x0  }
0x16: {  	s3 =	sld [smem:$0x3FDB];
	s0 =	simm.s32 @p2 $0x1  }
0x17: {  	s4 =	simm.s32 $0x1BF5;
	[smem:$0x3FB7] =	sst s0  }
0x18: {  	s0 =	sld [smem:$0x3F9A];
	_ =	swait.ge [sflag:s4], $0x0  }
0x19: {  	s7 =	sld [smem:$0x3F9B]  }
0x1a: {  	s8 =	sadd.s32 $0xFFFFE003, lr  }
0x1b: {  	s9 =	sadd.s32 $0xFFFFFEF7, lr;
	s5 =	simm.s32 $0xFFFFFFFF;
	p2 =	slt.u32 s8, $0xFFFFF086  }
0x1c: {  	p1 =	slt.u32 s9, $0xF7A;
	s5 =	simm.s32 @!p2 $0x0  }
0x1d: {  	s5 =	simm.s32 @p1 $0x1;
	p0 =	seq.s32 s7, s2  }
0x1e: {  	s7 =	smul.u32 @!p0 $0xF7A, s2;
	p2 =	seq.s32 @!p0 s5, $0x0  }
0x1f: {  	s9 =	smul.u32 $0xF7A, s1;
	s8 =	simm.s32 @!p0 $0x1BF5;
	p2 =	por !p2, p0  }
0x20: {  	[sflag:s8] =	ssyncset.s32 @!p0 $0xFFFFF086;
	s6 =	sadd.s32 @!p0 s3, s7;
	s7 =	simm.s32 @!p0 $0x108  }
0x21: {  	s3 =	sadd.s32 s3, s9;
	s6 =	sadd.s32 @!p0 $0x88, s6;
	s7 =	simm.s32 @p2 $0x1082  }
0x22: {  	[simem:s7], [sflag:s8] =	dma.local @!p0 [hbm:s6], $0xF7A  }
0x23: {  	s9 =	sor.u32 $0xD0000000, s2;
	s6 =	simm.s32 $0x108;
	_ =	swait.ge @!p0 [sflag:s8], $0x0  }
0x24: {  	s3 =	sadd.s32 $0x88, s3;
	s6 =	simm.s32 @!p1 $0x1082;
	[sflag:s4] =	ssyncset.s32 $0xFFFFF086  }
0x25: {  	[simem:s6], [sflag:s4] =	dma.local [hbm:s3], $0xF7A  }
0x26: {  	[smem:$0x3F9B] =	sst s1;
	(tag) =	ssettag s2;
	_ =	strace s9  }
0x27: {  	s1 =	sld [smem:$0x3FAB]  }
0x28: {  	s2 =	sld [smem:$0x3FAC]  }
0x29: {  	s4 =	sld [smem:$0x3FAE]  }
0x2a: {  	p0 =	seq.s32 s5, $0x0;
	s5 =	sld [smem:$0x3FAF]  }
0x2b: {  	s6 =	sld [smem:$0x3FB0]  }
0x2c: {  	s7 =	sld [smem:$0x3FB1]  }
0x2d: {  	s3 =	simm.s32 $0x108;
	s8 =	sld [smem:$0x3FB2]  }
0x2e: {  	s3 =	simm.s32 @!p0 $0x1082;
	s9 =	sld [smem:$0x3FB3]  }
0x2f: {  	lr =	sadd.s32 s0, s3;
	s0 =	sld [smem:$0x3FAA]  }
0x30: {  	s3 =	sld [smem:$0x3FAD]  }
0x31: {  	[smem:$0x3FB6] =	sst s10  }
0x32: {  	s10 =	sld [smem:$0x3FB4];
	_ =	sdelay $0x3  }
0x33: {  	p0 =	seq.s32 s10, $0x1;
	s10 =	sld [smem:$0x3FB6];
	_ =	sdelay $0x3  }
0x34: {  	[smem:$0x3FB6] =	sst s10  }
0x35: {  	s10 =	sld [smem:$0x3FB5];
	_ =	sdelay $0x3  }
0x36: {  	p1 =	seq.s32 s10, $0x1;
	s10 =	sld [smem:$0x3FB6];
	_ =	sdelay $0x3  }
0x37: {  	[smem:$0x3FB6] =	sst s10  }
0x38: {  	s10 =	sld [smem:$0x3FB7]  }
0x39: {  	_ = 	snop;
	(pc) =	sbr.ind lr, $3  }
0x3a: {  	_ = 	snop  }
0x3b: {  	_ = 	snop  }
0x3c: {  	p2 =	seq.s32 s10, $0x1;
	s10 =	sld [smem:$0x3FB6]  }
0x3d: {  	_ =	shalt  }
0x3e: {  	_ =	shalt  }
0x3f: {  	_ =	shalt  }
0x40: {  	_ =	shalt  }
0x41: {  	_ =	shalt  }
0x42: {  	_ =	shalt  }
0x43: {  	_ =	shalt  }
0x44: {  	_ =	shalt  }
0x45: {  	_ =	shalt  }
0x46: {  	_ =	shalt  }
0x47: {  	_ =	shalt  }
0x48: {  	_ =	shalt  }
0x49: {  	_ =	shalt  }
0x4a: {  	_ =	shalt  }
0x4b: {  	_ =	shalt  }
0x4c: {  	_ =	shalt  }
0x4d: {  	_ =	shalt  }
0x4e: {  	_ =	shalt  }
0x4f: {  	_ =	shalt  }
0x50: {  	_ =	shalt  }
0x51: {  	_ =	shalt  }
0x52: {  	_ =	shalt  }
0x53: {  	_ =	shalt  }
0x54: {  	_ =	shalt  }
0x55: {  	_ =	shalt  }
0x56: {  	_ =	shalt  }
0x57: {  	_ =	shalt  }
0x58: {  	_ =	shalt  }
0x59: {  	_ =	shalt  }
0x5a: {  	_ =	shalt  }
0x5b: {  	_ =	shalt  }
0x5c: {  	_ =	shalt  }
0x5d: {  	_ =	shalt  }
0x5e: {  	_ =	shalt  }
0x5f: {  	_ =	shalt  }
0x60: {  	_ =	shalt  }
0x61: {  	_ =	shalt  }
0x62: {  	_ =	shalt  }
0x63: {  	_ =	shalt  }
0x64: {  	_ =	shalt  }
0x65: {  	_ =	shalt  }
0x66: {  	_ =	shalt  }
0x67: {  	_ =	shalt  }
0x68: {  	_ =	shalt  }
0x69: {  	_ =	shalt  }
0x6a: {  	_ =	shalt  }
0x6b: {  	_ =	shalt  }
0x6c: {  	_ =	shalt  }
0x6d: {  	_ =	shalt  }
0x6e: {  	_ =	shalt  }
0x6f: {  	_ =	shalt  }
0x70: {  	_ =	shalt  }
0x71: {  	_ =	shalt  }
0x72: {  	_ =	shalt  }
0x73: {  	_ =	shalt  }
0x74: {  	_ =	shalt  }
0x75: {  	_ =	shalt  }
0x76: {  	_ =	shalt  }
0x77: {  	_ =	shalt  }
0x78: {  	_ =	shalt  }
0x79: {  	_ =	shalt  }
0x7a: {  	_ =	shalt  }
0x7b: {  	_ =	shalt  }
0x7c: {  	_ =	shalt  }
0x7d: {  	_ =	shalt  }
0x7e: {  	_ =	shalt  }
0x7f: {  	_ =	shalt  }
0x80: {  	_ =	shalt  }
0x81: {  	_ =	shalt  }
0x82: {  	_ =	shalt  }
0x83: {  	_ =	shalt  }
0x84: {  	_ =	shalt  }
0x85: {  	_ =	shalt  }
0x86: {  	_ =	shalt  }
0x87: {  	_ =	shalt  }
.Lfunc_end0:
.L_simem_size_0:
called_computation_lowered:
.L_overlay_start_0:
0x88: {  	s2 =	sld [smem:$0x3FD9]  }
0x89: {  	s3 =	sld [smem:$0x3FFE];
	_ =	sdelay $0x1  }
0x8a: {  	s1 =	srdreg.scid  }
0x8b: {  	s0 =	sand.u32 $0x1, s1  }
0x8c: {  	s17 =	sshll.u32 s0, $0xA;
	s2 =	sadd.s32 s3, s2  }
0x8d: {  	s2 =	sadd.s32 s2, s17  }
0x8e: {  	[smem:$0x3FC2] =	sst s2  }
0x8f: {  	_ = 	snop  }
0x90: {  	s2 =	sld [smem:$0x3FD0];
	(tm) =	ssettm $0x1  }
0x91: {  	s18 =	sld [smem:$0x3FFB];
	_ =	sdelay $0x3  }
0x92: {  	_ =	strace s18  }
0x93: {  	s3 =	sld [smem:$0x3FFC];
	_ =	sdelay $0x3  }
0x94: {  	_ =	strace s3  }
0x95: {  	s3 =	sld [smem:$0x3FFD];
	_ =	sdelay $0x3  }
0x96: {  	_ =	strace s3  }
0x97: {  	_ =	strace $0x8FFFFFFF  }
0x98: {  	s19 =	sld [smem:$0x3FDB];
	_ =	sdelay $0x1  }
0x99: {  	s4 =	simm.s32 $_scs_section_size  }
0x9a: {  	s5 =	simm.s32 $_size__tile_overlayer_lowered;
	s6 =	simm.s32 $_tile_overlayer_lowered  }
0x9b: {  	s22 =	simm.s32 $0x1BFF;
	s21 =	sshll.u32 s6, $0x1;
	s3 =	sadd.s32 s4, s19  }
0x9c: {  	s7 =	simm.s32 $0x0;
	s20 =	sshll.u32 s5, $0x1;
	s5 =	sadd.s32 s21, s3  }
0x9d: {  	[timem:s7], [sflag:s22] =	dma.local [hbm:s5], s20  }
0x9e: {  	_ =	swait.ge [sflag:s22], s20  }
0x9f: {  	s4 =	ssub.s32 $0x0, s20;
	[sflag:s22] =	ssyncset.done $0x0  }
0xa0: {  	[sflag:s22] =	ssyncadd.s32 s4;
	_ =	sdelay $0x1  }
0xa1: {  	s23 =	simm.s32 $0x1B8B  }
0xa2: {  	_ =	swait.ge [sflag:s23], $0x1  }
0xa3: {  	[sflag:s23] =	ssyncset.done $0x0  }
0xa4: {  	s25 =	simm.s32 $0x1B8E;
	s24 =	sld [smem:$0x3FFE];
	[sflag:s23] =	ssyncadd.s32 $0xFFFFFFFF  }
0xa5: {  	s26 =	simm.s32 $execute0_lowered;
	[smem:$0x3FD2] =	sst s25  }
0xa6: {  	s5 =	sshll.u32 s26, $0x1;
	_ =	strace $0x80000046;
	[dreg:$0x1] =	wrdreg $0xFFFFFFFF  }
0xa7: {  	s28 =	simm.s32 $_size_execute0_lowered;
	s3 =	sadd.s32 s3, s5;
	[dreg:$0x0] =	wrdreg $0x0  }
0xa8: {  	s5 =	sshll.u32 s28, $0x1;
	[dreg:$0x2] =	wrdreg s3  }
0xa9: {  	[dreg:$0x3] =	wrdreg s5  }
0xaa: {  	[dreg:$0x4] =	wrdreg $0xC0  }
0xab: {  	_ =	task [dreg:s7], $0x5FFFF  }
0xac: {  	[dreg:$0x1] =	wrdreg $0xFFFFFFFF  }
0xad: {  	[dreg:$0x0] =	wrdreg $0x60  }
0xae: {  	[dreg:$0x2] =	wrdreg s24  }
0xaf: {  	[dreg:$0x3] =	wrdreg s2  }
0xb0: {  	[dreg:$0x4] =	wrdreg $0x28800  }
0xb1: {  	[dreg:$0x5] =	wrdreg $0x9  }
0xb2: {  	_ =	task.clear_ibuf [dreg:s7], $0x6FFFF;
	_ =	strace $0x90000046  }
0xb3: {  	s29 =	simm.s32 $0x9;
	_ =	strace $0x80000048  }
0xb4: {  	_ =	swait.ge [sflag:s29], $0x1  }
0xb5: {  	[sflag:s29] =	ssyncadd.s32 $0xFFFFFFFF  }
0xb6: {  	_ =	strace $0x90000048  }
0xb7: {  	_ =	sfence  }
0xb8: {  	s30 =	sld [smem:$0x0];
	_ =	sdelay $0x2  }
0xb9: {  	s31 =	sshll.u32 s1, $0xD;
	s1 =	sshrl.u32 s1, $0x2  }
0xba: {  	s3 =	sand.u32 $0x4000, s31;
	s1 =	sadd.s32 s1, s30  }
0xbb: {  	s0 =	sor.u32 s3, s0;
	s1 =	sshll.u32 s1, $0x11  }
0xbc: {  	s0 =	sor.u32 s1, s0  }
0xbd: {  	s0 =	sadd.s32 $0x8F2B, s0  }
0xbe: {  	[sflag:s0] =	ssyncadd.remote.s32 $0x1  }
0xbf: {  	_ =	sfence.sel $0xFFFF  }
0xc0: {  	[dreg:$0x0] =	wrdreg $0xFFFFFFFF;
	(pc) =	sbr.abs _section_cstart, $3  }
0xc1: {  	[dreg:$0x1] =	wrdreg $0xFFFFFFFF  }
0xc2: {  	_ =	task.clear_ibuf [dreg:s7], $0x2FFFF;
	_ =	strace $0x9FFFFFFF  }
0xc3: {  	(tm) =	ssettm $0x7FFFFFFF  }
tec
execute0_lowered:
.L_overlay_start_1:
0x0: {  	(tag) =	ssettag $0x1  }
0x1: {  	s0 =	srdreg.scid;
	s3 =	rddreg [dreg:$0x0]  }
0x2: {  	s5 =	rddreg [dreg:$0x1];
	s7 =	stileid.u32  }
0x3: {  	s1 =	rddreg [dreg:$0x2];
	s2 =	simm.s32 $0x0;
	s10 =	simm.s32 $0x2800  }
0x4: {  	s11 =	simm.s32 $0x1;
	s4 =	sand.u32 $0x1, s0;
	s0 =	rddreg [dreg:$0x3]  }
0x5: {  	s12 =	simm.s32 $0x0;
	[smem:$0x7FF] =	sst s2;
	s6 =	sshll.u32 s4, $0x4  }
0x6: {  	p0 =	sne.s32 s7, $0x0;
	s4 =	ssub.s32 $0x2, s4;
	s8 =	sor.u32 s7, s6  }
0x7: {  	_ =	strace $0x80000047;
	s9 =	sshrl.u32 s4, $0x1;
	s8 =	smul.u32 $0x500, s8  }
0x8: {  	s5 =	sadd.s32 s5, s6;
	s7 =	simm.s32 $0x2;
	s9 =	ssub.s32 s4, s9  }
0x9: {  	s6 =	smax.u32 s9, $0x1;
	s9 =	simm.s32 $0x80;
	s8 =	sadd.s32 s8, s3  }
0xa: {  	v0 =	vimm.f32 $1.000000000e+00;
	s3 =	sadd.s32 $0x17400, s3;
	s4 =	sadd.s32 $0x3400, s8;
	s8 =	sshrl.u32 @!p0 s1, $0x3  }
.LBB2_1:
0xb: {  	[tilespmem:s2], [sflag:$0x2] =	stream.linear.gather [hbm4b:s4+s2], $0x2800, $0x38;
	[tilespmem:$0x2B00] =	vst v63  }
0xc: {  	_ =	swait.ge [sflag:s7], $0x2800  }
0xd: {  	[sflag:s7] =	ssyncset.done $0x0  }
0xe: {  	[sflag:s7] =	ssyncadd.s32 $0xFFFFD800  }
0xf: {  	[tilespmem:$0x2800] =	vst v0  }
0x10: {  	[tilespmem:$0x2810] =	vst v0  }
0x11: {  	[tilespmem:$0x2820] =	vst v0  }
0x12: {  	[tilespmem:$0x2830] =	vst v0  }
0x13: {  	[tilespmem:$0x2840] =	vst v0  }
0x14: {  	[tilespmem:$0x2850] =	vst v0  }
0x15: {  	[tilespmem:$0x2860] =	vst v0  }
0x16: {  	s13 =	simm.s32 @!p0 $0x1C02;
	[tilespmem:$0x2870] =	vst v0  }
0x17: {  	[spmem:s8], [sflag:s13] =	dma.local @!p0 [hbm:s3], $0x500  }
0x18: {  	s13 =	simm.s32 @!p0 $0x2  }
0x19: {  	_ =	swait.ge @!p0 [sflag:s13], $0x500  }
0x1a: {  	[sflag:s13] =	ssyncset.done @!p0 $0x0  }
0x1b: {  	[sflag:s13] =	ssyncadd.s32 @!p0 $0xFFFFFB00  }
0x1c: {  	s13 =	simm.s32 $0x0;
	[bflag:$0x0] =	sbarrier.arrive $0xFFFF  }
.LBB2_2:
0x1d: {  	p1 =	sne.s32 s13, $0x9E00  }
.Ltmp0:
0x1e: {  	_ = 	snop;
	(pc) =	sbr.rel @p1 .LBB2_2-.Ltmp0, $3  }
0x1f: {  	_ =	sdelay $0x1  }
0x20: {  	s14 =	sshra.s32 s13, $0x2;
	s13 =	sadd.s32 $0x200, s13  }
0x21: {  	[spmem:s1] =	stream.indirect.scatter.add.f32 [tilespmem:s10], [sflag:$0x1], $0x1, s14, s9, $0xb8;
	[tilespmem:$0x2B00] =	vst v63  }
0x22: {  	_ =	swait.ge [sflag:s11], $0x80  }
0x23: {  	s13 =	simm.s32 $0x4F;
	[sflag:s11] =	ssyncset.done $0x0  }
.LBB2_4:
0x24: {  	p1 =	sne.s32 s13, $0x1;
	s13 =	sadd.s32 $0xFFFFFFFF, s13;
	[sflag:s11] =	ssyncadd.s32 $0xFFFFFF80  }
.Ltmp1:
0x25: {  	(pc) =	sbr.rel @p1 .LBB2_4-.Ltmp1, $3  }
0x26: {  	_ =	sdelay $0x1  }
0x27: {  	_ =	swait.ge [sflag:s11], $0x80  }
0x28: {  	[sflag:s11] =	ssyncset.done $0x0  }
0x29: {  	[sflag:s11] =	ssyncadd.s32 $0xFFFFFF80;
	s13 =	simm.s32 @!p0 $0x1  }
0x2a: {  	s14 =	simm.s32 @!p0 $0x20;
	s15 =	simm.s32 @!p0 $0x10;
	s12 =	sadd.s32 $0x1, s12  }
0x2b: {  	s16 =	simm.s32 @!p0 $0x1C02;
	[bflag:$0x0] =	sbarrier.arrive $0xFFFF;
	p1 =	sne.s32 s12, s6  }
0x2c: {  	[hbm:s5@s14], [sflag:s16] =	dma.strided @!p0 [spmem:s8@s15], $0x500, s13, $0x10   }
.Ltmp2:
0x2d: {  	_ = 	snop;
	(pc) =	sbr.rel @p1 .LBB2_1-.Ltmp2, $4  }
0x2e: {  	s13 =	simm.s32 @!p0 $0x2  }
0x2f: {  	_ =	swait.ge @!p0 [sflag:s13], $0x500  }
0x30: {  	[sflag:s13] =	ssyncset.done @!p0 $0x0  }
0x31: {  	[sflag:s13] =	ssyncadd.s32 @!p0 $0xFFFFFB00  }
0x32: {  	_ =	sfence.sel $0x180000  }
0x33: {  	[bflag:$0x0] =	sbarrier.arrive $0xFFFF  }
0x34: {  	_ =	strace $0x90000047  }
0x35: {  	s0 =	sadd.s32 @!p0 $0x100000, s0;
	[bflag:$0x2] =	sbarrier.arrive $0xFFFF  }
0x36: {  	[sflag:s0] =	ssyncadd.tile.s32 @!p0 $0x1;
	_ =	shalt  }
.Lfunc_end2:
_tile_overlayer_lowered:
.L_overlay_start_2:
0x37: {  	(tag) =	ssettag $0x2  }
0x38: {  	s0 =	rddreg [dreg:$0x0];
	s2 =	stileid.u32  }
0x39: {  	s1 =	rddreg [dreg:$0x1];
	p0 =	sne.s32 s2, $0x0  }
0x3a: {  	s3 =	rddreg [dreg:$0x2];
	[bflag:$0x3] =	sbarrier.arrive $0xFFFF;
	s2 =	simm.s32 @!p0 $0x1C02  }
0x3b: {  	[timem:s3], [sflag:s2] =	dma.local @!p0 [hbm:s0], s1  }
0x3c: {  	s0 =	simm.s32 @!p0 $0x2  }
0x3d: {  	_ =	swait.ge @!p0 [sflag:s0], s1  }
0x3e: {  	s1 =	ssub.s32 @!p0 $0x0, s1;
	[sflag:s0] =	ssyncset.done @!p0 $0x0  }
0x3f: {  	[sflag:s0] =	ssyncadd.s32 @!p0 s1  }
0x40: {  	[bflag:$0x3] =	sbarrier.arrive $0xFFFF  }
0x41: {  	_ =	shalt  }

</sc_bundles>
